<compile_context>
chip_gen: v7x
topology: tpu7x:2x2x1
jax: 0.10.2.dev20260603
libtpu: 0.0.44.dev20260713+nightly
codegen_flags: <defaults>
</compile_context>

<pallas_src>
import functools

import jax
import jax.numpy as jnp
from jax import lax
from jax.experimental import pallas as pl
from jax.experimental.pallas import tpu as pltpu
from jax.experimental.pallas import tpu_sc as plsc

N = 10000
E = 320000
D = 128

NC = 2
NS = 16
TILES = NC * NS
DH = D // NC
C4 = 80
K4 = 250
EPT = E // TILES
RPT = N // NS
BR = 1000
GRID = N // BR


def _sc_mesh():
  return plsc.VectorSubcoreMesh(core_axis_name="c", subcore_axis_name="s")


_SC_PARAMS = pltpu.CompilerParams(needs_layout_passes=False,
                                  use_tc_tiling_on_sc=False)


def _sc_agg_rows(hp2, src_t, dst_t, zrows):

  @functools.partial(
      pl.kernel,
      out_type=jax.ShapeDtypeStruct((NC, N, DH), jnp.float32),
      mesh=_sc_mesh(),
      compiler_params=_SC_PARAMS,
      scratch_types=[
          pltpu.VMEM((K4, C4), jnp.int32),
          pltpu.VMEM((K4, C4), jnp.int32),
          pltpu.VMEM((C4, DH), jnp.float32),
          pltpu.VMEM((C4, DH), jnp.float32),
          pltpu.VMEM_SHARED((N, DH), jnp.float32),
          pltpu.VMEM_SHARED((N, DH), jnp.float32),
          pltpu.SemaphoreType.DMA,
          pltpu.SemaphoreType.DMA,
      ],
  )
  def k(hp_hbm, src_hbm, dst_hbm, z_hbm, out_hbm,
        sidx, didx, buf0, buf1, hp_sh, acc, sem0, sem1):
    c = lax.axis_index("c")
    s = lax.axis_index("s")
    pltpu.sync_copy(src_hbm.at[s], sidx)
    pltpu.sync_copy(dst_hbm.at[s], didx)
    pltpu.sync_copy(hp_hbm.at[c].at[pl.ds(s * RPT, RPT)],
                    hp_sh.at[pl.ds(s * RPT, RPT)])
    pltpu.sync_copy(z_hbm, acc.at[pl.ds(s * RPT, RPT)])
    plsc.subcore_barrier()

    def start(j, buf, sem):
      pltpu.async_copy(hp_sh.at[sidx.at[j]], buf, sem)

    def wait(j, buf, sem):
      pltpu.make_async_copy(hp_sh.at[sidx.at[j]], buf, sem).wait()

    start(0, buf0, sem0)
    start(1, buf1, sem1)

    @pl.loop(0, K4, step=2)
    def _(g):
      wait(g, buf0, sem0)
      pltpu.sync_copy(buf0, acc.at[didx.at[g]], add=True)

      @pl.when(g + 2 < K4)
      def _():
        start(g + 2, buf0, sem0)

      wait(g + 1, buf1, sem1)
      pltpu.sync_copy(buf1, acc.at[didx.at[g + 1]], add=True)

      @pl.when(g + 3 < K4)
      def _():
        start(g + 3, buf1, sem1)

    plsc.subcore_barrier()
    pltpu.sync_copy(acc.at[pl.ds(s * RPT, RPT)],
                    out_hbm.at[c].at[pl.ds(s * RPT, RPT)])

  return k(hp2, src_t, dst_t, zrows)


def _sc_degree(dst_flat, zcol):

  @functools.partial(
      pl.kernel,
      out_type=jax.ShapeDtypeStruct((TILES, N), jnp.float32),
      mesh=_sc_mesh(),
      compiler_params=_SC_PARAMS,
      scratch_types=[
          pltpu.VMEM((EPT,), jnp.int32),
          pltpu.VMEM((N,), jnp.float32),
      ],
  )
  def k(dst_hbm, z_hbm, out_hbm, didx, acc):
    c = lax.axis_index("c")
    s = lax.axis_index("s")
    w = c * NS + s
    pltpu.sync_copy(dst_hbm.at[w], didx)
    pltpu.sync_copy(z_hbm, acc)
    ones = jnp.ones((16,), jnp.float32)

    @pl.loop(0, EPT // 16)
    def _(i):
      d = didx[pl.ds(i * 16, 16)]
      plsc.addupdate_scatter(acc, [d], ones)

    pltpu.sync_copy(acc, out_hbm.at[w])

  return k(dst_flat, zcol)


def _sc_agg_scalar(vals, src_flat, dst_flat, zcol):

  @functools.partial(
      pl.kernel,
      out_type=jax.ShapeDtypeStruct((TILES, N), jnp.float32),
      mesh=_sc_mesh(),
      compiler_params=_SC_PARAMS,
      scratch_types=[
          pltpu.VMEM((EPT,), jnp.int32),
          pltpu.VMEM((EPT,), jnp.int32),
          pltpu.VMEM((N,), jnp.float32),
          pltpu.VMEM((N,), jnp.float32),
      ],
  )
  def k(vals_hbm, src_hbm, dst_hbm, z_hbm, out_hbm, sidx, didx, vloc, acc):
    c = lax.axis_index("c")
    s = lax.axis_index("s")
    w = c * NS + s
    pltpu.sync_copy(src_hbm.at[w], sidx)
    pltpu.sync_copy(dst_hbm.at[w], didx)
    pltpu.sync_copy(vals_hbm, vloc)
    pltpu.sync_copy(z_hbm, acc)

    @pl.loop(0, EPT // 16)
    def _(i):
      ss = sidx[pl.ds(i * 16, 16)]
      dd = didx[pl.ds(i * 16, 16)]
      v = plsc.load_gather(vloc, [ss])
      plsc.addupdate_scatter(acc, [dd], v)

    pltpu.sync_copy(acc, out_hbm.at[w])

  return k(vals, src_flat, dst_flat, zcol)


def _tc_first(deg_t, x, w1):

  def body(deg_ref, x_ref, w_ref, h_ref, dinv_ref):
    deg = jnp.sum(deg_ref[...], axis=1, keepdims=True) + 1.0
    dinv = 1.0 / jnp.sqrt(deg)
    h = jnp.dot(x_ref[...], w_ref[...], preferred_element_type=jnp.float32)
    h = h * dinv
    h_ref[0] = h[:, :DH]
    h_ref[1] = h[:, DH:]
    dinv_ref[...] = dinv

  return pl.pallas_call(
      body,
      grid=(GRID,),
      in_specs=[
          pl.BlockSpec((BR, TILES), lambda i: (i, 0)),
          pl.BlockSpec((BR, D), lambda i: (i, 0)),
          pl.BlockSpec((D, D), lambda i: (0, 0)),
      ],
      out_specs=[
          pl.BlockSpec((NC, BR, DH), lambda i: (0, i, 0)),
          pl.BlockSpec((BR, 1), lambda i: (i, 0)),
      ],
      out_shape=[
          jax.ShapeDtypeStruct((NC, N, DH), jnp.float32),
          jax.ShapeDtypeStruct((N, 1), jnp.float32),
      ],
  )(deg_t, x, w1)


def _tc_mid(agg2, hp2, dinv, b2d, w, dn):

  def body(agg_ref, hp_ref, dinv_ref, b_ref, w_ref, out_ref):
    dinv = dinv_ref[...]
    ta = agg_ref[0] + hp_ref[0]
    tb = agg_ref[1] + hp_ref[1]
    ta = ta * dinv + b_ref[0, :DH][None, :]
    tb = tb * dinv + b_ref[0, DH:][None, :]
    ta = jnp.maximum(ta, 0.0)
    tb = jnp.maximum(tb, 0.0)
    r = (jnp.dot(ta, w_ref[...][:DH], preferred_element_type=jnp.float32)
         + jnp.dot(tb, w_ref[...][DH:], preferred_element_type=jnp.float32))
    r = r * dinv
    if dn == 1:
      out_ref[...] = r
    else:
      out_ref[0] = r[:, :DH]
      out_ref[1] = r[:, DH:]

  out_shape = (NC, N, DH) if dn > 1 else (N, 1)
  out_spec = (pl.BlockSpec((NC, BR, DH), lambda i: (0, i, 0)) if dn > 1
              else pl.BlockSpec((BR, 1), lambda i: (i, 0)))
  return pl.pallas_call(
      body,
      grid=(GRID,),
      in_specs=[
          pl.BlockSpec((NC, BR, DH), lambda i: (0, i, 0)),
          pl.BlockSpec((NC, BR, DH), lambda i: (0, i, 0)),
          pl.BlockSpec((BR, 1), lambda i: (i, 0)),
          pl.BlockSpec((1, D), lambda i: (0, 0)),
          pl.BlockSpec((D, dn), lambda i: (0, 0)),
      ],
      out_specs=out_spec,
      out_shape=jax.ShapeDtypeStruct(out_shape, jnp.float32),
  )(agg2, hp2, dinv, b2d, w)


def _tc_final(parts, h3p, dinv, b3):

  def body(parts_ref, h3_ref, dinv_ref, b_ref, out_ref):
    agg = jnp.sum(parts_ref[...], axis=0)
    out_ref[...] = dinv_ref[...][:, 0] * (agg + h3_ref[...]) + b_ref[0]

  return pl.pallas_call(
      body,
      out_shape=jax.ShapeDtypeStruct((N,), jnp.float32),
  )(parts, h3p, dinv, b3)


def kernel(x, edge_index, W1, b1, W2, b2, W3, b3):
  f32 = jnp.float32
  src = edge_index[0].astype(jnp.int32)
  dst = edge_index[1].astype(jnp.int32)
  src_t = src.reshape(NS, K4, C4)
  dst_t = dst.reshape(NS, K4, C4)
  src_flat = src.reshape(TILES, EPT)
  dst_flat = dst.reshape(TILES, EPT)

  zrows = jnp.zeros((RPT, DH), f32)
  zcol = jnp.zeros((N,), f32)
  b1_2d = b1.reshape(1, D)
  b2_2d = b2.reshape(1, D)

  deg_t = _sc_degree(dst_flat, zcol).T
  hp1, dinv = _tc_first(deg_t, x, W1)
  agg1 = _sc_agg_rows(hp1, src_t, dst_t, zrows)
  hp2 = _tc_mid(agg1, hp1, dinv, b1_2d, W2, D)
  agg2 = _sc_agg_rows(hp2, src_t, dst_t, zrows)
  h3p = _tc_mid(agg2, hp2, dinv, b2_2d, W3, 1).reshape(N)
  parts3 = _sc_agg_scalar(h3p, src_flat, dst_flat, zcol)
  return _tc_final(parts3, h3p, dinv, b3)

# --- scband reference (transcript-rebuilt; emitter-appended) ---
"""Pipeline reference for scband-gcn-40209483825153 (READ-ONLY COPY).

The authoritative reference and input builder live on the scoring server;
editing this copy changes nothing except your own understanding.
"""

import jax, jax.numpy as jnp
import numpy as np

N_NODES = 10000
N_EDGES = 320000
D_IN = 128
D_H = 128
D_OUT = 1


def setup_inputs(seed: int = 0) -> dict:
    key = jax.random.key(seed)
    ks = jax.random.split(key, 8)
    x = jax.random.normal(ks[0], (N_NODES, D_IN), dtype=jnp.float32)
    edge_index = jax.random.randint(ks[1], (2, N_EDGES), 0, N_NODES, dtype=jnp.int64 if jax.config.jax_enable_x64 else jnp.int32).astype(jnp.int32)
    W1 = jax.random.normal(ks[2], (D_IN, D_H), dtype=jnp.float32) * (1.0 / np.sqrt(D_IN))
    b1 = jnp.zeros((D_H,), dtype=jnp.float32)
    W2 = jax.random.normal(ks[3], (D_H, D_H), dtype=jnp.float32) * (1.0 / np.sqrt(D_H))
    b2 = jnp.zeros((D_H,), dtype=jnp.float32)
    W3 = jax.random.normal(ks[4], (D_H, D_OUT), dtype=jnp.float32) * (1.0 / np.sqrt(D_H))
    b3 = jnp.zeros((D_OUT,), dtype=jnp.float32)
    return {"x": x, "edge_index": edge_index, "W1": W1, "b1": b1, "W2": W2, "b2": b2, "W3": W3, "b3": b3}


def _gcn_conv(x, edge_index, W, b):
    # GCNConv: out = D^{-1/2} (A + I) D^{-1/2} X W + b
    n = x.shape[0]
    loop = jnp.arange(n, dtype=edge_index.dtype)
    src = jnp.concatenate([edge_index[0], loop])
    dst = jnp.concatenate([edge_index[1], loop])
    h = x @ W
    deg = jnp.zeros((n,), dtype=x.dtype).at[dst].add(1.0)
    dinv = jnp.where(deg > 0, 1.0 / jnp.sqrt(deg), 0.0)
    norm = dinv[src] * dinv[dst]
    msg = h[src] * norm[:, None]
    out = jnp.zeros((n, h.shape[1]), dtype=x.dtype).at[dst].add(msg)
    return out + b


def reference(x, edge_index, W1, b1, W2, b2, W3, b3):
    # dropout is a no-op in eval mode
    h = jax.nn.relu(_gcn_conv(x, edge_index, W1, b1))
    h = jax.nn.relu(_gcn_conv(h, edge_index, W2, b2))
    h = _gcn_conv(h, edge_index, W3, b3)
    return h.reshape(-1)

if __name__ == "__main__":
    import jax
    _d = setup_inputs()
    print(jax.jit(kernel)(*tuple(_d.values())))

</pallas_src>

<mosaic_0001>
#map = affine_map<(d0, d1) -> (0, 0, 0)>
#map1 = affine_map<(d0, d1) -> (0, 0)>
module attributes {stable_mosaic.version = 14 : i64} {
  func.func @k(%arg0: i32, %arg1: i32, %arg2: memref<2x10000x64xf32, #tpu.memory_space<hbm>>, %arg3: memref<16x250x80xi32, #tpu.memory_space<hbm>>, %arg4: memref<16x250x80xi32, #tpu.memory_space<hbm>>, %arg5: memref<625x64xf32, #tpu.memory_space<hbm>>, %arg6: memref<2x10000x64xf32, #tpu.memory_space<hbm>>, %arg7: memref<250x80xi32, #tpu.memory_space<vmem>>, %arg8: memref<250x80xi32, #tpu.memory_space<vmem>>, %arg9: memref<80x64xf32, #tpu.memory_space<vmem>>, %arg10: memref<80x64xf32, #tpu.memory_space<vmem>>, %arg11: memref<10000x64xf32, #tpu.memory_space<vmem_shared>>, %arg12: memref<10000x64xf32, #tpu.memory_space<vmem_shared>>, %arg13: memref<!tpu.dma_semaphore, #tpu.memory_space<semaphore_mem>>, %arg14: memref<!tpu.dma_semaphore, #tpu.memory_space<semaphore_mem>>) attributes {dimension_semantics = [#tpu.dimension_semantics<core_parallel>, #tpu.dimension_semantics<subcore_parallel>], iteration_bounds = array<i64: 2, 16>, scalar_prefetch = 0 : i64, scratch_operands = 8 : i64, tpu.core_type = #tpu.core_type<sc_vector_subcore>, window_params = [{transform_indices = #map}, {transform_indices = #map}, {transform_indices = #map}, {transform_indices = #map1}, {transform_indices = #map}]} {
    "tpu.region"() ({
      %run_scoped3A = tpu.sem_alloc : memref<!tpu.dma_semaphore, #tpu.memory_space<semaphore_mem>>
      %dma_start3A_27 = arith.constant 0 : i32
      %dma_start3A_28 = arith.constant 0 : i32
      %dma_start3A_29 = tpu.memref_slice %arg3[%arg1, %dma_start3A_27, %dma_start3A_28] : memref<16x250x80xi32, #tpu.memory_space<hbm>> -> memref<1x250x80xi32, #tpu.memory_space<hbm>>
      %dma_start3A_30 = tpu.memref_squeeze %dma_start3A_29 : memref<1x250x80xi32, #tpu.memory_space<hbm>> -> memref<250x80xi32, #tpu.memory_space<hbm>>
      %dma_start3A_31 = arith.constant 0 : i32
      %dma_start3A_32 = arith.constant 0 : i32
      %dma_start3A_33 = tpu.memref_slice %arg3[%arg1, %dma_start3A_31, %dma_start3A_32] : memref<16x250x80xi32, #tpu.memory_space<hbm>> -> memref<1x250x80xi32, #tpu.memory_space<hbm>>
      %dma_start3A_34 = tpu.memref_squeeze %dma_start3A_33 : memref<1x250x80xi32, #tpu.memory_space<hbm>> -> memref<250x80xi32, #tpu.memory_space<hbm>>
      tpu.enqueue_dma source(%dma_start3A_34 : memref<250x80xi32, #tpu.memory_space<hbm>>) target(%arg7 : memref<250x80xi32, #tpu.memory_space<vmem>>) target_semaphore(%run_scoped3A : memref<!tpu.dma_semaphore, #tpu.memory_space<semaphore_mem>>)
      %dma_wait3A = arith.constant 0 : i32
      %dma_wait3A_35 = arith.constant 0 : i32
      %dma_wait3A_36 = tpu.memref_slice %arg3[%arg1, %dma_wait3A, %dma_wait3A_35] : memref<16x250x80xi32, #tpu.memory_space<hbm>> -> memref<1x250x80xi32, #tpu.memory_space<hbm>>
      %dma_wait3A_37 = tpu.memref_squeeze %dma_wait3A_36 : memref<1x250x80xi32, #tpu.memory_space<hbm>> -> memref<250x80xi32, #tpu.memory_space<hbm>>
      %dma_wait3A_38 = arith.constant 0 : i32
      %dma_wait3A_39 = arith.constant 0 : i32
      %dma_wait3A_40 = tpu.memref_slice %arg3[%arg1, %dma_wait3A_38, %dma_wait3A_39] : memref<16x250x80xi32, #tpu.memory_space<hbm>> -> memref<1x250x80xi32, #tpu.memory_space<hbm>>
      %dma_wait3A_41 = tpu.memref_squeeze %dma_wait3A_40 : memref<1x250x80xi32, #tpu.memory_space<hbm>> -> memref<250x80xi32, #tpu.memory_space<hbm>>
      tpu.wait_dma2 semaphore(%run_scoped3A : memref<!tpu.dma_semaphore, #tpu.memory_space<semaphore_mem>>) src(%dma_wait3A_41 : memref<250x80xi32, #tpu.memory_space<hbm>>) dst(%arg7 : memref<250x80xi32, #tpu.memory_space<vmem>>)
      tpu.yield
    }) : () -> ()
    "tpu.region"() ({
      %run_scoped3A = tpu.sem_alloc : memref<!tpu.dma_semaphore, #tpu.memory_space<semaphore_mem>>
      %dma_start3A_27 = arith.constant 0 : i32
      %dma_start3A_28 = arith.constant 0 : i32
      %dma_start3A_29 = tpu.memref_slice %arg4[%arg1, %dma_start3A_27, %dma_start3A_28] : memref<16x250x80xi32, #tpu.memory_space<hbm>> -> memref<1x250x80xi32, #tpu.memory_space<hbm>>
      %dma_start3A_30 = tpu.memref_squeeze %dma_start3A_29 : memref<1x250x80xi32, #tpu.memory_space<hbm>> -> memref<250x80xi32, #tpu.memory_space<hbm>>
      %dma_start3A_31 = arith.constant 0 : i32
      %dma_start3A_32 = arith.constant 0 : i32
      %dma_start3A_33 = tpu.memref_slice %arg4[%arg1, %dma_start3A_31, %dma_start3A_32] : memref<16x250x80xi32, #tpu.memory_space<hbm>> -> memref<1x250x80xi32, #tpu.memory_space<hbm>>
      %dma_start3A_34 = tpu.memref_squeeze %dma_start3A_33 : memref<1x250x80xi32, #tpu.memory_space<hbm>> -> memref<250x80xi32, #tpu.memory_space<hbm>>
      tpu.enqueue_dma source(%dma_start3A_34 : memref<250x80xi32, #tpu.memory_space<hbm>>) target(%arg8 : memref<250x80xi32, #tpu.memory_space<vmem>>) target_semaphore(%run_scoped3A : memref<!tpu.dma_semaphore, #tpu.memory_space<semaphore_mem>>)
      %dma_wait3A = arith.constant 0 : i32
      %dma_wait3A_35 = arith.constant 0 : i32
      %dma_wait3A_36 = tpu.memref_slice %arg4[%arg1, %dma_wait3A, %dma_wait3A_35] : memref<16x250x80xi32, #tpu.memory_space<hbm>> -> memref<1x250x80xi32, #tpu.memory_space<hbm>>
      %dma_wait3A_37 = tpu.memref_squeeze %dma_wait3A_36 : memref<1x250x80xi32, #tpu.memory_space<hbm>> -> memref<250x80xi32, #tpu.memory_space<hbm>>
      %dma_wait3A_38 = arith.constant 0 : i32
      %dma_wait3A_39 = arith.constant 0 : i32
      %dma_wait3A_40 = tpu.memref_slice %arg4[%arg1, %dma_wait3A_38, %dma_wait3A_39] : memref<16x250x80xi32, #tpu.memory_space<hbm>> -> memref<1x250x80xi32, #tpu.memory_space<hbm>>
      %dma_wait3A_41 = tpu.memref_squeeze %dma_wait3A_40 : memref<1x250x80xi32, #tpu.memory_space<hbm>> -> memref<250x80xi32, #tpu.memory_space<hbm>>
      tpu.wait_dma2 semaphore(%run_scoped3A : memref<!tpu.dma_semaphore, #tpu.memory_space<semaphore_mem>>) src(%dma_wait3A_41 : memref<250x80xi32, #tpu.memory_space<hbm>>) dst(%arg8 : memref<250x80xi32, #tpu.memory_space<vmem>>)
      tpu.yield
    }) : () -> ()
    %mul3A = arith.constant 625 : i32
    %mul3A_0 = arith.muli %arg1, %mul3A : i32
    %mul3A_1 = arith.constant 625 : i32
    %mul3A_2 = arith.muli %arg1, %mul3A_1 : i32
    "tpu.region"() ({
      %run_scoped3A = tpu.sem_alloc : memref<!tpu.dma_semaphore, #tpu.memory_space<semaphore_mem>>
      %dma_start3A_27 = arith.constant 0 : i32
      %dma_start3A_28 = tpu.memref_slice %arg11[%mul3A_2, %dma_start3A_27] : memref<10000x64xf32, #tpu.memory_space<vmem_shared>> -> memref<625x64xf32, #tpu.memory_space<vmem_shared>>
      %dma_start3A_29 = arith.constant 0 : i32
      %dma_start3A_30 = arith.constant 0 : i32
      %dma_start3A_31 = tpu.memref_slice %arg2[%arg0, %dma_start3A_29, %dma_start3A_30] : memref<2x10000x64xf32, #tpu.memory_space<hbm>> -> memref<1x10000x64xf32, #tpu.memory_space<hbm>>
      %dma_start3A_32 = tpu.memref_squeeze %dma_start3A_31 : memref<1x10000x64xf32, #tpu.memory_space<hbm>> -> memref<10000x64xf32, #tpu.memory_space<hbm>>
      %dma_start3A_33 = arith.constant 0 : i32
      %dma_start3A_34 = tpu.memref_slice %dma_start3A_32[%mul3A_0, %dma_start3A_33] : memref<10000x64xf32, #tpu.memory_space<hbm>> -> memref<625x64xf32, #tpu.memory_space<hbm>>
      tpu.enqueue_dma source(%dma_start3A_34 : memref<625x64xf32, #tpu.memory_space<hbm>>) target(%dma_start3A_28 : memref<625x64xf32, #tpu.memory_space<vmem_shared>>) target_semaphore(%run_scoped3A : memref<!tpu.dma_semaphore, #tpu.memory_space<semaphore_mem>>)
      %dma_wait3A = arith.constant 0 : i32
      %dma_wait3A_35 = tpu.memref_slice %arg11[%mul3A_2, %dma_wait3A] : memref<10000x64xf32, #tpu.memory_space<vmem_shared>> -> memref<625x64xf32, #tpu.memory_space<vmem_shared>>
      %dma_wait3A_36 = arith.constant 0 : i32
      %dma_wait3A_37 = arith.constant 0 : i32
      %dma_wait3A_38 = tpu.memref_slice %arg2[%arg0, %dma_wait3A_36, %dma_wait3A_37] : memref<2x10000x64xf32, #tpu.memory_space<hbm>> -> memref<1x10000x64xf32, #tpu.memory_space<hbm>>
      %dma_wait3A_39 = tpu.memref_squeeze %dma_wait3A_38 : memref<1x10000x64xf32, #tpu.memory_space<hbm>> -> memref<10000x64xf32, #tpu.memory_space<hbm>>
      %dma_wait3A_40 = arith.constant 0 : i32
      %dma_wait3A_41 = tpu.memref_slice %dma_wait3A_39[%mul3A_0, %dma_wait3A_40] : memref<10000x64xf32, #tpu.memory_space<hbm>> -> memref<625x64xf32, #tpu.memory_space<hbm>>
      tpu.wait_dma2 semaphore(%run_scoped3A : memref<!tpu.dma_semaphore, #tpu.memory_space<semaphore_mem>>) src(%dma_wait3A_41 : memref<625x64xf32, #tpu.memory_space<hbm>>) dst(%dma_wait3A_35 : memref<625x64xf32, #tpu.memory_space<vmem_shared>>)
      tpu.yield
    }) : () -> ()
    %mul3A_3 = arith.constant 625 : i32
    %mul3A_4 = arith.muli %arg1, %mul3A_3 : i32
    "tpu.region"() ({
      %run_scoped3A = tpu.sem_alloc : memref<!tpu.dma_semaphore, #tpu.memory_space<semaphore_mem>>
      %dma_start3A_27 = arith.constant 0 : i32
      %dma_start3A_28 = tpu.memref_slice %arg12[%mul3A_4, %dma_start3A_27] : memref<10000x64xf32, #tpu.memory_space<vmem_shared>> -> memref<625x64xf32, #tpu.memory_space<vmem_shared>>
      tpu.enqueue_dma source(%arg5 : memref<625x64xf32, #tpu.memory_space<hbm>>) target(%dma_start3A_28 : memref<625x64xf32, #tpu.memory_space<vmem_shared>>) target_semaphore(%run_scoped3A : memref<!tpu.dma_semaphore, #tpu.memory_space<semaphore_mem>>)
      %dma_wait3A = arith.constant 0 : i32
      %dma_wait3A_29 = tpu.memref_slice %arg12[%mul3A_4, %dma_wait3A] : memref<10000x64xf32, #tpu.memory_space<vmem_shared>> -> memref<625x64xf32, #tpu.memory_space<vmem_shared>>
      tpu.wait_dma2 semaphore(%run_scoped3A : memref<!tpu.dma_semaphore, #tpu.memory_space<semaphore_mem>>) src(%arg5 : memref<625x64xf32, #tpu.memory_space<hbm>>) dst(%dma_wait3A_29 : memref<625x64xf32, #tpu.memory_space<vmem_shared>>)
      tpu.yield
    }) : () -> ()
    %barrier3A = arith.constant 0 : index
    tpu.barrier barrier_id(%barrier3A)
    %dma_start3A = arith.constant 0 : i32
    %dma_start3A_5 = arith.constant 0 : i32
    %dma_start3A_6 = tpu.memref_slice %arg7[%dma_start3A, %dma_start3A_5] : memref<250x80xi32, #tpu.memory_space<vmem>> -> memref<1x80xi32, #tpu.memory_space<vmem>>
    %dma_start3A_7 = tpu.memref_squeeze %dma_start3A_6 : memref<1x80xi32, #tpu.memory_space<vmem>> -> memref<80xi32, #tpu.memory_space<vmem>>
    %dma_start3A_8 = arith.constant 0 : i32
    %dma_start3A_9 = arith.constant 0 : i32
    %dma_start3A_10 = tpu.memref_slice %arg11[%dma_start3A_8, %dma_start3A_9] : memref<10000x64xf32, #tpu.memory_space<vmem_shared>> -> memref<10000x64xf32, #tpu.memory_space<vmem_shared>>
    tpu.enqueue_indirect_dma source(%dma_start3A_10 : memref<10000x64xf32, #tpu.memory_space<vmem_shared>>) target(%arg9 : memref<80x64xf32, #tpu.memory_space<vmem>>) offsets(%dma_start3A_7 : memref<80xi32, #tpu.memory_space<vmem>>) semaphore(%arg13 : memref<!tpu.dma_semaphore, #tpu.memory_space<semaphore_mem>>)
    %dma_start3A_11 = arith.constant 1 : i32
    %dma_start3A_12 = arith.constant 0 : i32
    %dma_start3A_13 = tpu.memref_slice %arg7[%dma_start3A_11, %dma_start3A_12] : memref<250x80xi32, #tpu.memory_space<vmem>> -> memref<1x80xi32, #tpu.memory_space<vmem>>
    %dma_start3A_14 = tpu.memref_squeeze %dma_start3A_13 : memref<1x80xi32, #tpu.memory_space<vmem>> -> memref<80xi32, #tpu.memory_space<vmem>>
    %dma_start3A_15 = arith.constant 0 : i32
    %dma_start3A_16 = arith.constant 0 : i32
    %dma_start3A_17 = tpu.memref_slice %arg11[%dma_start3A_15, %dma_start3A_16] : memref<10000x64xf32, #tpu.memory_space<vmem_shared>> -> memref<10000x64xf32, #tpu.memory_space<vmem_shared>>
    tpu.enqueue_indirect_dma source(%dma_start3A_17 : memref<10000x64xf32, #tpu.memory_space<vmem_shared>>) target(%arg10 : memref<80x64xf32, #tpu.memory_space<vmem>>) offsets(%dma_start3A_14 : memref<80xi32, #tpu.memory_space<vmem>>) semaphore(%arg14 : memref<!tpu.dma_semaphore, #tpu.memory_space<semaphore_mem>>)
    %scan3A = arith.constant 0 : i32
    %scan3A_18 = arith.constant 125 : i32
    %scan3A_19 = arith.addi %scan3A, %scan3A_18 : i32
    %scan3A_20 = arith.constant 1 : i32
    scf.for %scan3A_27 = %scan3A to %scan3A_19 step %scan3A_20  : i32 {
      %mul3A_28 = arith.constant 2 : i32
      %mul3A_29 = arith.muli %scan3A_27, %mul3A_28 : i32
      %add3A = arith.constant 0 : i32
      %add3A_30 = arith.addi %add3A, %mul3A_29 : i32
      %dma_wait3A = arith.constant 0 : i32
      %dma_wait3A_31 = tpu.memref_slice %arg7[%add3A_30, %dma_wait3A] : memref<250x80xi32, #tpu.memory_space<vmem>> -> memref<1x80xi32, #tpu.memory_space<vmem>>
      %dma_wait3A_32 = tpu.memref_squeeze %dma_wait3A_31 : memref<1x80xi32, #tpu.memory_space<vmem>> -> memref<80xi32, #tpu.memory_space<vmem>>
      %dma_wait3A_33 = arith.constant 0 : i32
      %dma_wait3A_34 = arith.constant 0 : i32
      %dma_wait3A_35 = tpu.memref_slice %arg11[%dma_wait3A_33, %dma_wait3A_34] : memref<10000x64xf32, #tpu.memory_space<vmem_shared>> -> memref<10000x64xf32, #tpu.memory_space<vmem_shared>>
      tpu.wait_indirect_dma semaphore(%arg13 : memref<!tpu.dma_semaphore, #tpu.memory_space<semaphore_mem>>) src(%dma_wait3A_35 : memref<10000x64xf32, #tpu.memory_space<vmem_shared>>) dst(%arg9 : memref<80x64xf32, #tpu.memory_space<vmem>>)
      "tpu.region"() ({
        %run_scoped3A = tpu.sem_alloc : memref<!tpu.dma_semaphore, #tpu.memory_space<semaphore_mem>>
        %dma_start3A_57 = arith.constant 0 : i32
        %dma_start3A_58 = tpu.memref_slice %arg8[%add3A_30, %dma_start3A_57] : memref<250x80xi32, #tpu.memory_space<vmem>> -> memref<1x80xi32, #tpu.memory_space<vmem>>
        %dma_start3A_59 = tpu.memref_squeeze %dma_start3A_58 : memref<1x80xi32, #tpu.memory_space<vmem>> -> memref<80xi32, #tpu.memory_space<vmem>>
        %dma_start3A_60 = arith.constant 0 : i32
        %dma_start3A_61 = arith.constant 0 : i32
        %dma_start3A_62 = tpu.memref_slice %arg12[%dma_start3A_60, %dma_start3A_61] : memref<10000x64xf32, #tpu.memory_space<vmem_shared>> -> memref<10000x64xf32, #tpu.memory_space<vmem_shared>>
        tpu.enqueue_indirect_dma source(%arg9 : memref<80x64xf32, #tpu.memory_space<vmem>>) target(%dma_start3A_62 : memref<10000x64xf32, #tpu.memory_space<vmem_shared>>) offsets(%dma_start3A_59 : memref<80xi32, #tpu.memory_space<vmem>>) semaphore(%run_scoped3A : memref<!tpu.dma_semaphore, #tpu.memory_space<semaphore_mem>>) {add = true}
        %dma_wait3A_63 = arith.constant 0 : i32
        %dma_wait3A_64 = tpu.memref_slice %arg8[%add3A_30, %dma_wait3A_63] : memref<250x80xi32, #tpu.memory_space<vmem>> -> memref<1x80xi32, #tpu.memory_space<vmem>>
        %dma_wait3A_65 = tpu.memref_squeeze %dma_wait3A_64 : memref<1x80xi32, #tpu.memory_space<vmem>> -> memref<80xi32, #tpu.memory_space<vmem>>
        %dma_wait3A_66 = arith.constant 0 : i32
        %dma_wait3A_67 = arith.constant 0 : i32
        %dma_wait3A_68 = tpu.memref_slice %arg12[%dma_wait3A_66, %dma_wait3A_67] : memref<10000x64xf32, #tpu.memory_space<vmem_shared>> -> memref<10000x64xf32, #tpu.memory_space<vmem_shared>>
        tpu.wait_indirect_dma semaphore(%run_scoped3A : memref<!tpu.dma_semaphore, #tpu.memory_space<semaphore_mem>>) src(%arg9 : memref<80x64xf32, #tpu.memory_space<vmem>>) dst(%dma_wait3A_68 : memref<10000x64xf32, #tpu.memory_space<vmem_shared>>)
        tpu.yield
      }) : () -> ()
      %add3A_36 = arith.constant 2 : i32
      %add3A_37 = arith.addi %add3A_30, %add3A_36 : i32
      %lt3A = arith.constant 250 : i32
      %lt3A_38 = arith.cmpi slt, %add3A_37, %lt3A : i32
      %convert_element_type3A = arith.extui %lt3A_38 : i1 to i32
      %cond3A = arith.constant 0 : i32
      %cond3A_39 = arith.cmpi ne, %convert_element_type3A, %cond3A : i32
      scf.if %cond3A_39 {
        %add3A_57 = arith.constant 2 : i32
        %add3A_58 = arith.addi %add3A_30, %add3A_57 : i32
        %dma_start3A_59 = arith.constant 0 : i32
        %dma_start3A_60 = tpu.memref_slice %arg7[%add3A_58, %dma_start3A_59] : memref<250x80xi32, #tpu.memory_space<vmem>> -> memref<1x80xi32, #tpu.memory_space<vmem>>
        %dma_start3A_61 = tpu.memref_squeeze %dma_start3A_60 : memref<1x80xi32, #tpu.memory_space<vmem>> -> memref<80xi32, #tpu.memory_space<vmem>>
        %dma_start3A_62 = arith.constant 0 : i32
        %dma_start3A_63 = arith.constant 0 : i32
        %dma_start3A_64 = tpu.memref_slice %arg11[%dma_start3A_62, %dma_start3A_63] : memref<10000x64xf32, #tpu.memory_space<vmem_shared>> -> memref<10000x64xf32, #tpu.memory_space<vmem_shared>>
        tpu.enqueue_indirect_dma source(%dma_start3A_64 : memref<10000x64xf32, #tpu.memory_space<vmem_shared>>) target(%arg9 : memref<80x64xf32, #tpu.memory_space<vmem>>) offsets(%dma_start3A_61 : memref<80xi32, #tpu.memory_space<vmem>>) semaphore(%arg13 : memref<!tpu.dma_semaphore, #tpu.memory_space<semaphore_mem>>)
      } else {
      }
      %add3A_40 = arith.constant 1 : i32
      %add3A_41 = arith.addi %add3A_30, %add3A_40 : i32
      %dma_wait3A_42 = arith.constant 0 : i32
      %dma_wait3A_43 = tpu.memref_slice %arg7[%add3A_41, %dma_wait3A_42] : memref<250x80xi32, #tpu.memory_space<vmem>> -> memref<1x80xi32, #tpu.memory_space<vmem>>
      %dma_wait3A_44 = tpu.memref_squeeze %dma_wait3A_43 : memref<1x80xi32, #tpu.memory_space<vmem>> -> memref<80xi32, #tpu.memory_space<vmem>>
      %dma_wait3A_45 = arith.constant 0 : i32
      %dma_wait3A_46 = arith.constant 0 : i32
      %dma_wait3A_47 = tpu.memref_slice %arg11[%dma_wait3A_45, %dma_wait3A_46] : memref<10000x64xf32, #tpu.memory_space<vmem_shared>> -> memref<10000x64xf32, #tpu.memory_space<vmem_shared>>
      tpu.wait_indirect_dma semaphore(%arg14 : memref<!tpu.dma_semaphore, #tpu.memory_space<semaphore_mem>>) src(%dma_wait3A_47 : memref<10000x64xf32, #tpu.memory_space<vmem_shared>>) dst(%arg10 : memref<80x64xf32, #tpu.memory_space<vmem>>)
      %add3A_48 = arith.constant 1 : i32
      %add3A_49 = arith.addi %add3A_30, %add3A_48 : i32
      "tpu.region"() ({
        %run_scoped3A = tpu.sem_alloc : memref<!tpu.dma_semaphore, #tpu.memory_space<semaphore_mem>>
        %dma_start3A_57 = arith.constant 0 : i32
        %dma_start3A_58 = tpu.memref_slice %arg8[%add3A_49, %dma_start3A_57] : memref<250x80xi32, #tpu.memory_space<vmem>> -> memref<1x80xi32, #tpu.memory_space<vmem>>
        %dma_start3A_59 = tpu.memref_squeeze %dma_start3A_58 : memref<1x80xi32, #tpu.memory_space<vmem>> -> memref<80xi32, #tpu.memory_space<vmem>>
        %dma_start3A_60 = arith.constant 0 : i32
        %dma_start3A_61 = arith.constant 0 : i32
        %dma_start3A_62 = tpu.memref_slice %arg12[%dma_start3A_60, %dma_start3A_61] : memref<10000x64xf32, #tpu.memory_space<vmem_shared>> -> memref<10000x64xf32, #tpu.memory_space<vmem_shared>>
        tpu.enqueue_indirect_dma source(%arg10 : memref<80x64xf32, #tpu.memory_space<vmem>>) target(%dma_start3A_62 : memref<10000x64xf32, #tpu.memory_space<vmem_shared>>) offsets(%dma_start3A_59 : memref<80xi32, #tpu.memory_space<vmem>>) semaphore(%run_scoped3A : memref<!tpu.dma_semaphore, #tpu.memory_space<semaphore_mem>>) {add = true}
        %dma_wait3A_63 = arith.constant 0 : i32
        %dma_wait3A_64 = tpu.memref_slice %arg8[%add3A_49, %dma_wait3A_63] : memref<250x80xi32, #tpu.memory_space<vmem>> -> memref<1x80xi32, #tpu.memory_space<vmem>>
        %dma_wait3A_65 = tpu.memref_squeeze %dma_wait3A_64 : memref<1x80xi32, #tpu.memory_space<vmem>> -> memref<80xi32, #tpu.memory_space<vmem>>
        %dma_wait3A_66 = arith.constant 0 : i32
        %dma_wait3A_67 = arith.constant 0 : i32
        %dma_wait3A_68 = tpu.memref_slice %arg12[%dma_wait3A_66, %dma_wait3A_67] : memref<10000x64xf32, #tpu.memory_space<vmem_shared>> -> memref<10000x64xf32, #tpu.memory_space<vmem_shared>>
        tpu.wait_indirect_dma semaphore(%run_scoped3A : memref<!tpu.dma_semaphore, #tpu.memory_space<semaphore_mem>>) src(%arg10 : memref<80x64xf32, #tpu.memory_space<vmem>>) dst(%dma_wait3A_68 : memref<10000x64xf32, #tpu.memory_space<vmem_shared>>)
        tpu.yield
      }) : () -> ()
      %add3A_50 = arith.constant 3 : i32
      %add3A_51 = arith.addi %add3A_30, %add3A_50 : i32
      %lt3A_52 = arith.constant 250 : i32
      %lt3A_53 = arith.cmpi slt, %add3A_51, %lt3A_52 : i32
      %convert_element_type3A_54 = arith.extui %lt3A_53 : i1 to i32
      %cond3A_55 = arith.constant 0 : i32
      %cond3A_56 = arith.cmpi ne, %convert_element_type3A_54, %cond3A_55 : i32
      scf.if %cond3A_56 {
        %add3A_57 = arith.constant 3 : i32
        %add3A_58 = arith.addi %add3A_30, %add3A_57 : i32
        %dma_start3A_59 = arith.constant 0 : i32
        %dma_start3A_60 = tpu.memref_slice %arg7[%add3A_58, %dma_start3A_59] : memref<250x80xi32, #tpu.memory_space<vmem>> -> memref<1x80xi32, #tpu.memory_space<vmem>>
        %dma_start3A_61 = tpu.memref_squeeze %dma_start3A_60 : memref<1x80xi32, #tpu.memory_space<vmem>> -> memref<80xi32, #tpu.memory_space<vmem>>
        %dma_start3A_62 = arith.constant 0 : i32
        %dma_start3A_63 = arith.constant 0 : i32
        %dma_start3A_64 = tpu.memref_slice %arg11[%dma_start3A_62, %dma_start3A_63] : memref<10000x64xf32, #tpu.memory_space<vmem_shared>> -> memref<10000x64xf32, #tpu.memory_space<vmem_shared>>
        tpu.enqueue_indirect_dma source(%dma_start3A_64 : memref<10000x64xf32, #tpu.memory_space<vmem_shared>>) target(%arg10 : memref<80x64xf32, #tpu.memory_space<vmem>>) offsets(%dma_start3A_61 : memref<80xi32, #tpu.memory_space<vmem>>) semaphore(%arg14 : memref<!tpu.dma_semaphore, #tpu.memory_space<semaphore_mem>>)
      } else {
      }
    }
    %scan3A_21 = arith.constant 125 : i32
    %barrier3A_22 = arith.constant 0 : index
    tpu.barrier barrier_id(%barrier3A_22)
    %mul3A_23 = arith.constant 625 : i32
    %mul3A_24 = arith.muli %arg1, %mul3A_23 : i32
    %mul3A_25 = arith.constant 625 : i32
    %mul3A_26 = arith.muli %arg1, %mul3A_25 : i32
    "tpu.region"() ({
      %run_scoped3A = tpu.sem_alloc : memref<!tpu.dma_semaphore, #tpu.memory_space<semaphore_mem>>
      %dma_start3A_27 = arith.constant 0 : i32
      %dma_start3A_28 = arith.constant 0 : i32
      %dma_start3A_29 = tpu.memref_slice %arg6[%arg0, %dma_start3A_27, %dma_start3A_28] : memref<2x10000x64xf32, #tpu.memory_space<hbm>> -> memref<1x10000x64xf32, #tpu.memory_space<hbm>>
      %dma_start3A_30 = tpu.memref_squeeze %dma_start3A_29 : memref<1x10000x64xf32, #tpu.memory_space<hbm>> -> memref<10000x64xf32, #tpu.memory_space<hbm>>
      %dma_start3A_31 = arith.constant 0 : i32
      %dma_start3A_32 = tpu.memref_slice %dma_start3A_30[%mul3A_26, %dma_start3A_31] : memref<10000x64xf32, #tpu.memory_space<hbm>> -> memref<625x64xf32, #tpu.memory_space<hbm>>
      %dma_start3A_33 = arith.constant 0 : i32
      %dma_start3A_34 = tpu.memref_slice %arg12[%mul3A_24, %dma_start3A_33] : memref<10000x64xf32, #tpu.memory_space<vmem_shared>> -> memref<625x64xf32, #tpu.memory_space<vmem_shared>>
      tpu.enqueue_dma source(%dma_start3A_34 : memref<625x64xf32, #tpu.memory_space<vmem_shared>>) target(%dma_start3A_32 : memref<625x64xf32, #tpu.memory_space<hbm>>) target_semaphore(%run_scoped3A : memref<!tpu.dma_semaphore, #tpu.memory_space<semaphore_mem>>)
      %dma_wait3A = arith.constant 0 : i32
      %dma_wait3A_35 = arith.constant 0 : i32
      %dma_wait3A_36 = tpu.memref_slice %arg6[%arg0, %dma_wait3A, %dma_wait3A_35] : memref<2x10000x64xf32, #tpu.memory_space<hbm>> -> memref<1x10000x64xf32, #tpu.memory_space<hbm>>
      %dma_wait3A_37 = tpu.memref_squeeze %dma_wait3A_36 : memref<1x10000x64xf32, #tpu.memory_space<hbm>> -> memref<10000x64xf32, #tpu.memory_space<hbm>>
      %dma_wait3A_38 = arith.constant 0 : i32
      %dma_wait3A_39 = tpu.memref_slice %dma_wait3A_37[%mul3A_26, %dma_wait3A_38] : memref<10000x64xf32, #tpu.memory_space<hbm>> -> memref<625x64xf32, #tpu.memory_space<hbm>>
      %dma_wait3A_40 = arith.constant 0 : i32
      %dma_wait3A_41 = tpu.memref_slice %arg12[%mul3A_24, %dma_wait3A_40] : memref<10000x64xf32, #tpu.memory_space<vmem_shared>> -> memref<625x64xf32, #tpu.memory_space<vmem_shared>>
      tpu.wait_dma2 semaphore(%run_scoped3A : memref<!tpu.dma_semaphore, #tpu.memory_space<semaphore_mem>>) src(%dma_wait3A_41 : memref<625x64xf32, #tpu.memory_space<vmem_shared>>) dst(%dma_wait3A_39 : memref<625x64xf32, #tpu.memory_space<hbm>>)
      tpu.yield
    }) : () -> ()
    return
  }
}

#map = affine_map<(d0, d1) -> (0, 0)>
#map1 = affine_map<(d0, d1) -> (0)>
module attributes {stable_mosaic.version = 14 : i64} {
  func.func @k(%arg0: i32, %arg1: i32, %arg2: memref<32x10000xi32, #tpu.memory_space<hbm>>, %arg3: memref<10000xf32, #tpu.memory_space<hbm>>, %arg4: memref<32x10000xf32, #tpu.memory_space<hbm>>, %arg5: memref<10000xi32, #tpu.memory_space<vmem>>, %arg6: memref<10000xf32, #tpu.memory_space<vmem>>) attributes {dimension_semantics = [#tpu.dimension_semantics<core_parallel>, #tpu.dimension_semantics<subcore_parallel>], iteration_bounds = array<i64: 2, 16>, scalar_prefetch = 0 : i64, scratch_operands = 2 : i64, tpu.core_type = #tpu.core_type<sc_vector_subcore>, window_params = [{transform_indices = #map}, {transform_indices = #map1}, {transform_indices = #map}]} {
    %mul3A = arith.constant 16 : i32
    %mul3A_0 = arith.muli %arg0, %mul3A : i32
    %add3A = arith.addi %mul3A_0, %arg1 : i32
    "tpu.region"() ({
      %run_scoped3A = tpu.sem_alloc : memref<!tpu.dma_semaphore, #tpu.memory_space<semaphore_mem>>
      %dma_start3A = arith.constant 0 : i32
      %dma_start3A_6 = tpu.memref_slice %arg2[%add3A, %dma_start3A] : memref<32x10000xi32, #tpu.memory_space<hbm>> -> memref<1x10000xi32, #tpu.memory_space<hbm>>
      %dma_start3A_7 = tpu.memref_squeeze %dma_start3A_6 : memref<1x10000xi32, #tpu.memory_space<hbm>> -> memref<10000xi32, #tpu.memory_space<hbm>>
      %dma_start3A_8 = arith.constant 0 : i32
      %dma_start3A_9 = tpu.memref_slice %arg2[%add3A, %dma_start3A_8] : memref<32x10000xi32, #tpu.memory_space<hbm>> -> memref<1x10000xi32, #tpu.memory_space<hbm>>
      %dma_start3A_10 = tpu.memref_squeeze %dma_start3A_9 : memref<1x10000xi32, #tpu.memory_space<hbm>> -> memref<10000xi32, #tpu.memory_space<hbm>>
      tpu.enqueue_dma source(%dma_start3A_10 : memref<10000xi32, #tpu.memory_space<hbm>>) target(%arg5 : memref<10000xi32, #tpu.memory_space<vmem>>) target_semaphore(%run_scoped3A : memref<!tpu.dma_semaphore, #tpu.memory_space<semaphore_mem>>)
      %dma_wait3A = arith.constant 0 : i32
      %dma_wait3A_11 = tpu.memref_slice %arg2[%add3A, %dma_wait3A] : memref<32x10000xi32, #tpu.memory_space<hbm>> -> memref<1x10000xi32, #tpu.memory_space<hbm>>
      %dma_wait3A_12 = tpu.memref_squeeze %dma_wait3A_11 : memref<1x10000xi32, #tpu.memory_space<hbm>> -> memref<10000xi32, #tpu.memory_space<hbm>>
      %dma_wait3A_13 = arith.constant 0 : i32
      %dma_wait3A_14 = tpu.memref_slice %arg2[%add3A, %dma_wait3A_13] : memref<32x10000xi32, #tpu.memory_space<hbm>> -> memref<1x10000xi32, #tpu.memory_space<hbm>>
      %dma_wait3A_15 = tpu.memref_squeeze %dma_wait3A_14 : memref<1x10000xi32, #tpu.memory_space<hbm>> -> memref<10000xi32, #tpu.memory_space<hbm>>
      tpu.wait_dma2 semaphore(%run_scoped3A : memref<!tpu.dma_semaphore, #tpu.memory_space<semaphore_mem>>) src(%dma_wait3A_15 : memref<10000xi32, #tpu.memory_space<hbm>>) dst(%arg5 : memref<10000xi32, #tpu.memory_space<vmem>>)
      tpu.yield
    }) : () -> ()
    "tpu.region"() ({
      %run_scoped3A = tpu.sem_alloc : memref<!tpu.dma_semaphore, #tpu.memory_space<semaphore_mem>>
      tpu.enqueue_dma source(%arg3 : memref<10000xf32, #tpu.memory_space<hbm>>) target(%arg6 : memref<10000xf32, #tpu.memory_space<vmem>>) target_semaphore(%run_scoped3A : memref<!tpu.dma_semaphore, #tpu.memory_space<semaphore_mem>>)
      tpu.wait_dma2 semaphore(%run_scoped3A : memref<!tpu.dma_semaphore, #tpu.memory_space<semaphore_mem>>) src(%arg3 : memref<10000xf32, #tpu.memory_space<hbm>>) dst(%arg6 : memref<10000xf32, #tpu.memory_space<vmem>>)
      tpu.yield
    }) : () -> ()
    %broadcast_in_dim3A = arith.constant 1.000000e+00 : f32
    %broadcast_in_dim3A_1 = vector.broadcast %broadcast_in_dim3A : f32 to vector<16xf32>
    %scan3A = arith.constant 0 : i32
    %scan3A_2 = arith.constant 625 : i32
    %scan3A_3 = arith.addi %scan3A, %scan3A_2 : i32
    %scan3A_4 = arith.constant 1 : i32
    scf.for %scan3A_6 = %scan3A to %scan3A_3 step %scan3A_4  : i32 {
      %mul3A_7 = arith.constant 1 : i32
      %mul3A_8 = arith.muli %scan3A_6, %mul3A_7 : i32
      %add3A_9 = arith.constant 0 : i32
      %add3A_10 = arith.addi %add3A_9, %mul3A_8 : i32
      %mul3A_11 = arith.constant 16 : i32
      %mul3A_12 = arith.muli %add3A_10, %mul3A_11 : i32
      %get3A = arith.index_cast %mul3A_12 : i32 to index
      %get3A_13 = tpu.vector_load %arg5[%get3A] {strides = array<i32>} : memref<10000xi32, #tpu.memory_space<vmem>>, vector<16xi32>,
      tpu.vector_store_idx %arg6[%get3A_13], %broadcast_in_dim3A_1 {add = true} : memref<10000xf32, #tpu.memory_space<vmem>>[vector<16xi32>], vector<16xf32>,
    }
    %scan3A_5 = arith.constant 625 : i32
    "tpu.region"() ({
      %run_scoped3A = tpu.sem_alloc : memref<!tpu.dma_semaphore, #tpu.memory_space<semaphore_mem>>
      %dma_start3A = arith.constant 0 : i32
      %dma_start3A_6 = tpu.memref_slice %arg4[%add3A, %dma_start3A] : memref<32x10000xf32, #tpu.memory_space<hbm>> -> memref<1x10000xf32, #tpu.memory_space<hbm>>
      %dma_start3A_7 = tpu.memref_squeeze %dma_start3A_6 : memref<1x10000xf32, #tpu.memory_space<hbm>> -> memref<10000xf32, #tpu.memory_space<hbm>>
      %dma_start3A_8 = arith.constant 0 : i32
      %dma_start3A_9 = tpu.memref_slice %arg4[%add3A, %dma_start3A_8] : memref<32x10000xf32, #tpu.memory_space<hbm>> -> memref<1x10000xf32, #tpu.memory_space<hbm>>
      %dma_start3A_10 = tpu.memref_squeeze %dma_start3A_9 : memref<1x10000xf32, #tpu.memory_space<hbm>> -> memref<10000xf32, #tpu.memory_space<hbm>>
      tpu.enqueue_dma source(%arg6 : memref<10000xf32, #tpu.memory_space<vmem>>) target(%dma_start3A_10 : memref<10000xf32, #tpu.memory_space<hbm>>) target_semaphore(%run_scoped3A : memref<!tpu.dma_semaphore, #tpu.memory_space<semaphore_mem>>)
      %dma_wait3A = arith.constant 0 : i32
      %dma_wait3A_11 = tpu.memref_slice %arg4[%add3A, %dma_wait3A] : memref<32x10000xf32, #tpu.memory_space<hbm>> -> memref<1x10000xf32, #tpu.memory_space<hbm>>
      %dma_wait3A_12 = tpu.memref_squeeze %dma_wait3A_11 : memref<1x10000xf32, #tpu.memory_space<hbm>> -> memref<10000xf32, #tpu.memory_space<hbm>>
      %dma_wait3A_13 = arith.constant 0 : i32
      %dma_wait3A_14 = tpu.memref_slice %arg4[%add3A, %dma_wait3A_13] : memref<32x10000xf32, #tpu.memory_space<hbm>> -> memref<1x10000xf32, #tpu.memory_space<hbm>>
      %dma_wait3A_15 = tpu.memref_squeeze %dma_wait3A_14 : memref<1x10000xf32, #tpu.memory_space<hbm>> -> memref<10000xf32, #tpu.memory_space<hbm>>
      tpu.wait_dma2 semaphore(%run_scoped3A : memref<!tpu.dma_semaphore, #tpu.memory_space<semaphore_mem>>) src(%arg6 : memref<10000xf32, #tpu.memory_space<vmem>>) dst(%dma_wait3A_15 : memref<10000xf32, #tpu.memory_space<hbm>>)
      tpu.yield
    }) : () -> ()
    return
  }
}

#map = affine_map<(d0, d1) -> (0, 0, 0)>
#map1 = affine_map<(d0, d1) -> (0, 0)>
module attributes {stable_mosaic.version = 14 : i64} {
  func.func @k(%arg0: i32, %arg1: i32, %arg2: memref<2x10000x64xf32, #tpu.memory_space<hbm>>, %arg3: memref<16x250x80xi32, #tpu.memory_space<hbm>>, %arg4: memref<16x250x80xi32, #tpu.memory_space<hbm>>, %arg5: memref<625x64xf32, #tpu.memory_space<hbm>>, %arg6: memref<2x10000x64xf32, #tpu.memory_space<hbm>>, %arg7: memref<250x80xi32, #tpu.memory_space<vmem>>, %arg8: memref<250x80xi32, #tpu.memory_space<vmem>>, %arg9: memref<80x64xf32, #tpu.memory_space<vmem>>, %arg10: memref<80x64xf32, #tpu.memory_space<vmem>>, %arg11: memref<10000x64xf32, #tpu.memory_space<vmem_shared>>, %arg12: memref<10000x64xf32, #tpu.memory_space<vmem_shared>>, %arg13: memref<!tpu.dma_semaphore, #tpu.memory_space<semaphore_mem>>, %arg14: memref<!tpu.dma_semaphore, #tpu.memory_space<semaphore_mem>>) attributes {dimension_semantics = [#tpu.dimension_semantics<core_parallel>, #tpu.dimension_semantics<subcore_parallel>], iteration_bounds = array<i64: 2, 16>, scalar_prefetch = 0 : i64, scratch_operands = 8 : i64, tpu.core_type = #tpu.core_type<sc_vector_subcore>, window_params = [{transform_indices = #map}, {transform_indices = #map}, {transform_indices = #map}, {transform_indices = #map1}, {transform_indices = #map}]} {
    "tpu.region"() ({
      %run_scoped3A = tpu.sem_alloc : memref<!tpu.dma_semaphore, #tpu.memory_space<semaphore_mem>>
      %dma_start3A_27 = arith.constant 0 : i32
      %dma_start3A_28 = arith.constant 0 : i32
      %dma_start3A_29 = tpu.memref_slice %arg3[%arg1, %dma_start3A_27, %dma_start3A_28] : memref<16x250x80xi32, #tpu.memory_space<hbm>> -> memref<1x250x80xi32, #tpu.memory_space<hbm>>
      %dma_start3A_30 = tpu.memref_squeeze %dma_start3A_29 : memref<1x250x80xi32, #tpu.memory_space<hbm>> -> memref<250x80xi32, #tpu.memory_space<hbm>>
      %dma_start3A_31 = arith.constant 0 : i32
      %dma_start3A_32 = arith.constant 0 : i32
      %dma_start3A_33 = tpu.memref_slice %arg3[%arg1, %dma_start3A_31, %dma_start3A_32] : memref<16x250x80xi32, #tpu.memory_space<hbm>> -> memref<1x250x80xi32, #tpu.memory_space<hbm>>
      %dma_start3A_34 = tpu.memref_squeeze %dma_start3A_33 : memref<1x250x80xi32, #tpu.memory_space<hbm>> -> memref<250x80xi32, #tpu.memory_space<hbm>>
      tpu.enqueue_dma source(%dma_start3A_34 : memref<250x80xi32, #tpu.memory_space<hbm>>) target(%arg7 : memref<250x80xi32, #tpu.memory_space<vmem>>) target_semaphore(%run_scoped3A : memref<!tpu.dma_semaphore, #tpu.memory_space<semaphore_mem>>)
      %dma_wait3A = arith.constant 0 : i32
      %dma_wait3A_35 = arith.constant 0 : i32
      %dma_wait3A_36 = tpu.memref_slice %arg3[%arg1, %dma_wait3A, %dma_wait3A_35] : memref<16x250x80xi32, #tpu.memory_space<hbm>> -> memref<1x250x80xi32, #tpu.memory_space<hbm>>
      %dma_wait3A_37 = tpu.memref_squeeze %dma_wait3A_36 : memref<1x250x80xi32, #tpu.memory_space<hbm>> -> memref<250x80xi32, #tpu.memory_space<hbm>>
      %dma_wait3A_38 = arith.constant 0 : i32
      %dma_wait3A_39 = arith.constant 0 : i32
      %dma_wait3A_40 = tpu.memref_slice %arg3[%arg1, %dma_wait3A_38, %dma_wait3A_39] : memref<16x250x80xi32, #tpu.memory_space<hbm>> -> memref<1x250x80xi32, #tpu.memory_space<hbm>>
      %dma_wait3A_41 = tpu.memref_squeeze %dma_wait3A_40 : memref<1x250x80xi32, #tpu.memory_space<hbm>> -> memref<250x80xi32, #tpu.memory_space<hbm>>
      tpu.wait_dma2 semaphore(%run_scoped3A : memref<!tpu.dma_semaphore, #tpu.memory_space<semaphore_mem>>) src(%dma_wait3A_41 : memref<250x80xi32, #tpu.memory_space<hbm>>) dst(%arg7 : memref<250x80xi32, #tpu.memory_space<vmem>>)
      tpu.yield
    }) : () -> ()
    "tpu.region"() ({
      %run_scoped3A = tpu.sem_alloc : memref<!tpu.dma_semaphore, #tpu.memory_space<semaphore_mem>>
      %dma_start3A_27 = arith.constant 0 : i32
      %dma_start3A_28 = arith.constant 0 : i32
      %dma_start3A_29 = tpu.memref_slice %arg4[%arg1, %dma_start3A_27, %dma_start3A_28] : memref<16x250x80xi32, #tpu.memory_space<hbm>> -> memref<1x250x80xi32, #tpu.memory_space<hbm>>
      %dma_start3A_30 = tpu.memref_squeeze %dma_start3A_29 : memref<1x250x80xi32, #tpu.memory_space<hbm>> -> memref<250x80xi32, #tpu.memory_space<hbm>>
      %dma_start3A_31 = arith.constant 0 : i32
      %dma_start3A_32 = arith.constant 0 : i32
      %dma_start3A_33 = tpu.memref_slice %arg4[%arg1, %dma_start3A_31, %dma_start3A_32] : memref<16x250x80xi32, #tpu.memory_space<hbm>> -> memref<1x250x80xi32, #tpu.memory_space<hbm>>
      %dma_start3A_34 = tpu.memref_squeeze %dma_start3A_33 : memref<1x250x80xi32, #tpu.memory_space<hbm>> -> memref<250x80xi32, #tpu.memory_space<hbm>>
      tpu.enqueue_dma source(%dma_start3A_34 : memref<250x80xi32, #tpu.memory_space<hbm>>) target(%arg8 : memref<250x80xi32, #tpu.memory_space<vmem>>) target_semaphore(%run_scoped3A : memref<!tpu.dma_semaphore, #tpu.memory_space<semaphore_mem>>)
      %dma_wait3A = arith.constant 0 : i32
      %dma_wait3A_35 = arith.constant 0 : i32
      %dma_wait3A_36 = tpu.memref_slice %arg4[%arg1, %dma_wait3A, %dma_wait3A_35] : memref<16x250x80xi32, #tpu.memory_space<hbm>> -> memref<1x250x80xi32, #tpu.memory_space<hbm>>
      %dma_wait3A_37 = tpu.memref_squeeze %dma_wait3A_36 : memref<1x250x80xi32, #tpu.memory_space<hbm>> -> memref<250x80xi32, #tpu.memory_space<hbm>>
      %dma_wait3A_38 = arith.constant 0 : i32
      %dma_wait3A_39 = arith.constant 0 : i32
      %dma_wait3A_40 = tpu.memref_slice %arg4[%arg1, %dma_wait3A_38, %dma_wait3A_39] : memref<16x250x80xi32, #tpu.memory_space<hbm>> -> memref<1x250x80xi32, #tpu.memory_space<hbm>>
      %dma_wait3A_41 = tpu.memref_squeeze %dma_wait3A_40 : memref<1x250x80xi32, #tpu.memory_space<hbm>> -> memref<250x80xi32, #tpu.memory_space<hbm>>
      tpu.wait_dma2 semaphore(%run_scoped3A : memref<!tpu.dma_semaphore, #tpu.memory_space<semaphore_mem>>) src(%dma_wait3A_41 : memref<250x80xi32, #tpu.memory_space<hbm>>) dst(%arg8 : memref<250x80xi32, #tpu.memory_space<vmem>>)
      tpu.yield
    }) : () -> ()
    %mul3A = arith.constant 625 : i32
    %mul3A_0 = arith.muli %arg1, %mul3A : i32
    %mul3A_1 = arith.constant 625 : i32
    %mul3A_2 = arith.muli %arg1, %mul3A_1 : i32
    "tpu.region"() ({
      %run_scoped3A = tpu.sem_alloc : memref<!tpu.dma_semaphore, #tpu.memory_space<semaphore_mem>>
      %dma_start3A_27 = arith.constant 0 : i32
      %dma_start3A_28 = tpu.memref_slice %arg11[%mul3A_2, %dma_start3A_27] : memref<10000x64xf32, #tpu.memory_space<vmem_shared>> -> memref<625x64xf32, #tpu.memory_space<vmem_shared>>
      %dma_start3A_29 = arith.constant 0 : i32
      %dma_start3A_30 = arith.constant 0 : i32
      %dma_start3A_31 = tpu.memref_slice %arg2[%arg0, %dma_start3A_29, %dma_start3A_30] : memref<2x10000x64xf32, #tpu.memory_space<hbm>> -> memref<1x10000x64xf32, #tpu.memory_space<hbm>>
      %dma_start3A_32 = tpu.memref_squeeze %dma_start3A_31 : memref<1x10000x64xf32, #tpu.memory_space<hbm>> -> memref<10000x64xf32, #tpu.memory_space<hbm>>
      %dma_start3A_33 = arith.constant 0 : i32
      %dma_start3A_34 = tpu.memref_slice %dma_start3A_32[%mul3A_0, %dma_start3A_33] : memref<10000x64xf32, #tpu.memory_space<hbm>> -> memref<625x64xf32, #tpu.memory_space<hbm>>
      tpu.enqueue_dma source(%dma_start3A_34 : memref<625x64xf32, #tpu.memory_space<hbm>>) target(%dma_start3A_28 : memref<625x64xf32, #tpu.memory_space<vmem_shared>>) target_semaphore(%run_scoped3A : memref<!tpu.dma_semaphore, #tpu.memory_space<semaphore_mem>>)
      %dma_wait3A = arith.constant 0 : i32
      %dma_wait3A_35 = tpu.memref_slice %arg11[%mul3A_2, %dma_wait3A] : memref<10000x64xf32, #tpu.memory_space<vmem_shared>> -> memref<625x64xf32, #tpu.memory_space<vmem_shared>>
      %dma_wait3A_36 = arith.constant 0 : i32
      %dma_wait3A_37 = arith.constant 0 : i32
      %dma_wait3A_38 = tpu.memref_slice %arg2[%arg0, %dma_wait3A_36, %dma_wait3A_37] : memref<2x10000x64xf32, #tpu.memory_space<hbm>> -> memref<1x10000x64xf32, #tpu.memory_space<hbm>>
      %dma_wait3A_39 = tpu.memref_squeeze %dma_wait3A_38 : memref<1x10000x64xf32, #tpu.memory_space<hbm>> -> memref<10000x64xf32, #tpu.memory_space<hbm>>
      %dma_wait3A_40 = arith.constant 0 : i32
      %dma_wait3A_41 = tpu.memref_slice %dma_wait3A_39[%mul3A_0, %dma_wait3A_40] : memref<10000x64xf32, #tpu.memory_space<hbm>> -> memref<625x64xf32, #tpu.memory_space<hbm>>
      tpu.wait_dma2 semaphore(%run_scoped3A : memref<!tpu.dma_semaphore, #tpu.memory_space<semaphore_mem>>) src(%dma_wait3A_41 : memref<625x64xf32, #tpu.memory_space<hbm>>) dst(%dma_wait3A_35 : memref<625x64xf32, #tpu.memory_space<vmem_shared>>)
      tpu.yield
    }) : () -> ()
    %mul3A_3 = arith.constant 625 : i32
    %mul3A_4 = arith.muli %arg1, %mul3A_3 : i32
    "tpu.region"() ({
      %run_scoped3A = tpu.sem_alloc : memref<!tpu.dma_semaphore, #tpu.memory_space<semaphore_mem>>
      %dma_start3A_27 = arith.constant 0 : i32
      %dma_start3A_28 = tpu.memref_slice %arg12[%mul3A_4, %dma_start3A_27] : memref<10000x64xf32, #tpu.memory_space<vmem_shared>> -> memref<625x64xf32, #tpu.memory_space<vmem_shared>>
      tpu.enqueue_dma source(%arg5 : memref<625x64xf32, #tpu.memory_space<hbm>>) target(%dma_start3A_28 : memref<625x64xf32, #tpu.memory_space<vmem_shared>>) target_semaphore(%run_scoped3A : memref<!tpu.dma_semaphore, #tpu.memory_space<semaphore_mem>>)
      %dma_wait3A = arith.constant 0 : i32
      %dma_wait3A_29 = tpu.memref_slice %arg12[%mul3A_4, %dma_wait3A] : memref<10000x64xf32, #tpu.memory_space<vmem_shared>> -> memref<625x64xf32, #tpu.memory_space<vmem_shared>>
      tpu.wait_dma2 semaphore(%run_scoped3A : memref<!tpu.dma_semaphore, #tpu.memory_space<semaphore_mem>>) src(%arg5 : memref<625x64xf32, #tpu.memory_space<hbm>>) dst(%dma_wait3A_29 : memref<625x64xf32, #tpu.memory_space<vmem_shared>>)
      tpu.yield
    }) : () -> ()
    %barrier3A = arith.constant 0 : index
    tpu.barrier barrier_id(%barrier3A)
    %dma_start3A = arith.constant 0 : i32
    %dma_start3A_5 = arith.constant 0 : i32
    %dma_start3A_6 = tpu.memref_slice %arg7[%dma_start3A, %dma_start3A_5] : memref<250x80xi32, #tpu.memory_space<vmem>> -> memref<1x80xi32, #tpu.memory_space<vmem>>
    %dma_start3A_7 = tpu.memref_squeeze %dma_start3A_6 : memref<1x80xi32, #tpu.memory_space<vmem>> -> memref<80xi32, #tpu.memory_space<vmem>>
    %dma_start3A_8 = arith.constant 0 : i32
    %dma_start3A_9 = arith.constant 0 : i32
    %dma_start3A_10 = tpu.memref_slice %arg11[%dma_start3A_8, %dma_start3A_9] : memref<10000x64xf32, #tpu.memory_space<vmem_shared>> -> memref<10000x64xf32, #tpu.memory_space<vmem_shared>>
    tpu.enqueue_indirect_dma source(%dma_start3A_10 : memref<10000x64xf32, #tpu.memory_space<vmem_shared>>) target(%arg9 : memref<80x64xf32, #tpu.memory_space<vmem>>) offsets(%dma_start3A_7 : memref<80xi32, #tpu.memory_space<vmem>>) semaphore(%arg13 : memref<!tpu.dma_semaphore, #tpu.memory_space<semaphore_mem>>)
    %dma_start3A_11 = arith.constant 1 : i32
    %dma_start3A_12 = arith.constant 0 : i32
    %dma_start3A_13 = tpu.memref_slice %arg7[%dma_start3A_11, %dma_start3A_12] : memref<250x80xi32, #tpu.memory_space<vmem>> -> memref<1x80xi32, #tpu.memory_space<vmem>>
    %dma_start3A_14 = tpu.memref_squeeze %dma_start3A_13 : memref<1x80xi32, #tpu.memory_space<vmem>> -> memref<80xi32, #tpu.memory_space<vmem>>
    %dma_start3A_15 = arith.constant 0 : i32
    %dma_start3A_16 = arith.constant 0 : i32
    %dma_start3A_17 = tpu.memref_slice %arg11[%dma_start3A_15, %dma_start3A_16] : memref<10000x64xf32, #tpu.memory_space<vmem_shared>> -> memref<10000x64xf32, #tpu.memory_space<vmem_shared>>
    tpu.enqueue_indirect_dma source(%dma_start3A_17 : memref<10000x64xf32, #tpu.memory_space<vmem_shared>>) target(%arg10 : memref<80x64xf32, #tpu.memory_space<vmem>>) offsets(%dma_start3A_14 : memref<80xi32, #tpu.memory_space<vmem>>) semaphore(%arg14 : memref<!tpu.dma_semaphore, #tpu.memory_space<semaphore_mem>>)
    %scan3A = arith.constant 0 : i32
    %scan3A_18 = arith.constant 125 : i32
    %scan3A_19 = arith.addi %scan3A, %scan3A_18 : i32
    %scan3A_20 = arith.constant 1 : i32
    scf.for %scan3A_27 = %scan3A to %scan3A_19 step %scan3A_20  : i32 {
      %mul3A_28 = arith.constant 2 : i32
      %mul3A_29 = arith.muli %scan3A_27, %mul3A_28 : i32
      %add3A = arith.constant 0 : i32
      %add3A_30 = arith.addi %add3A, %mul3A_29 : i32
      %dma_wait3A = arith.constant 0 : i32
      %dma_wait3A_31 = tpu.memref_slice %arg7[%add3A_30, %dma_wait3A] : memref<250x80xi32, #tpu.memory_space<vmem>> -> memref<1x80xi32, #tpu.memory_space<vmem>>
      %dma_wait3A_32 = tpu.memref_squeeze %dma_wait3A_31 : memref<1x80xi32, #tpu.memory_space<vmem>> -> memref<80xi32, #tpu.memory_space<vmem>>
      %dma_wait3A_33 = arith.constant 0 : i32
      %dma_wait3A_34 = arith.constant 0 : i32
      %dma_wait3A_35 = tpu.memref_slice %arg11[%dma_wait3A_33, %dma_wait3A_34] : memref<10000x64xf32, #tpu.memory_space<vmem_shared>> -> memref<10000x64xf32, #tpu.memory_space<vmem_shared>>
      tpu.wait_indirect_dma semaphore(%arg13 : memref<!tpu.dma_semaphore, #tpu.memory_space<semaphore_mem>>) src(%dma_wait3A_35 : memref<10000x64xf32, #tpu.memory_space<vmem_shared>>) dst(%arg9 : memref<80x64xf32, #tpu.memory_space<vmem>>)
      "tpu.region"() ({
        %run_scoped3A = tpu.sem_alloc : memref<!tpu.dma_semaphore, #tpu.memory_space<semaphore_mem>>
        %dma_start3A_57 = arith.constant 0 : i32
        %dma_start3A_58 = tpu.memref_slice %arg8[%add3A_30, %dma_start3A_57] : memref<250x80xi32, #tpu.memory_space<vmem>> -> memref<1x80xi32, #tpu.memory_space<vmem>>
        %dma_start3A_59 = tpu.memref_squeeze %dma_start3A_58 : memref<1x80xi32, #tpu.memory_space<vmem>> -> memref<80xi32, #tpu.memory_space<vmem>>
        %dma_start3A_60 = arith.constant 0 : i32
        %dma_start3A_61 = arith.constant 0 : i32
        %dma_start3A_62 = tpu.memref_slice %arg12[%dma_start3A_60, %dma_start3A_61] : memref<10000x64xf32, #tpu.memory_space<vmem_shared>> -> memref<10000x64xf32, #tpu.memory_space<vmem_shared>>
        tpu.enqueue_indirect_dma source(%arg9 : memref<80x64xf32, #tpu.memory_space<vmem>>) target(%dma_start3A_62 : memref<10000x64xf32, #tpu.memory_space<vmem_shared>>) offsets(%dma_start3A_59 : memref<80xi32, #tpu.memory_space<vmem>>) semaphore(%run_scoped3A : memref<!tpu.dma_semaphore, #tpu.memory_space<semaphore_mem>>) {add = true}
        %dma_wait3A_63 = arith.constant 0 : i32
        %dma_wait3A_64 = tpu.memref_slice %arg8[%add3A_30, %dma_wait3A_63] : memref<250x80xi32, #tpu.memory_space<vmem>> -> memref<1x80xi32, #tpu.memory_space<vmem>>
        %dma_wait3A_65 = tpu.memref_squeeze %dma_wait3A_64 : memref<1x80xi32, #tpu.memory_space<vmem>> -> memref<80xi32, #tpu.memory_space<vmem>>
        %dma_wait3A_66 = arith.constant 0 : i32
        %dma_wait3A_67 = arith.constant 0 : i32
        %dma_wait3A_68 = tpu.memref_slice %arg12[%dma_wait3A_66, %dma_wait3A_67] : memref<10000x64xf32, #tpu.memory_space<vmem_shared>> -> memref<10000x64xf32, #tpu.memory_space<vmem_shared>>
        tpu.wait_indirect_dma semaphore(%run_scoped3A : memref<!tpu.dma_semaphore, #tpu.memory_space<semaphore_mem>>) src(%arg9 : memref<80x64xf32, #tpu.memory_space<vmem>>) dst(%dma_wait3A_68 : memref<10000x64xf32, #tpu.memory_space<vmem_shared>>)
        tpu.yield
      }) : () -> ()
      %add3A_36 = arith.constant 2 : i32
      %add3A_37 = arith.addi %add3A_30, %add3A_36 : i32
      %lt3A = arith.constant 250 : i32
      %lt3A_38 = arith.cmpi slt, %add3A_37, %lt3A : i32
      %convert_element_type3A = arith.extui %lt3A_38 : i1 to i32
      %cond3A = arith.constant 0 : i32
      %cond3A_39 = arith.cmpi ne, %convert_element_type3A, %cond3A : i32
      scf.if %cond3A_39 {
        %add3A_57 = arith.constant 2 : i32
        %add3A_58 = arith.addi %add3A_30, %add3A_57 : i32
        %dma_start3A_59 = arith.constant 0 : i32
        %dma_start3A_60 = tpu.memref_slice %arg7[%add3A_58, %dma_start3A_59] : memref<250x80xi32, #tpu.memory_space<vmem>> -> memref<1x80xi32, #tpu.memory_space<vmem>>
        %dma_start3A_61 = tpu.memref_squeeze %dma_start3A_60 : memref<1x80xi32, #tpu.memory_space<vmem>> -> memref<80xi32, #tpu.memory_space<vmem>>
        %dma_start3A_62 = arith.constant 0 : i32
        %dma_start3A_63 = arith.constant 0 : i32
        %dma_start3A_64 = tpu.memref_slice %arg11[%dma_start3A_62, %dma_start3A_63] : memref<10000x64xf32, #tpu.memory_space<vmem_shared>> -> memref<10000x64xf32, #tpu.memory_space<vmem_shared>>
        tpu.enqueue_indirect_dma source(%dma_start3A_64 : memref<10000x64xf32, #tpu.memory_space<vmem_shared>>) target(%arg9 : memref<80x64xf32, #tpu.memory_space<vmem>>) offsets(%dma_start3A_61 : memref<80xi32, #tpu.memory_space<vmem>>) semaphore(%arg13 : memref<!tpu.dma_semaphore, #tpu.memory_space<semaphore_mem>>)
      } else {
      }
      %add3A_40 = arith.constant 1 : i32
      %add3A_41 = arith.addi %add3A_30, %add3A_40 : i32
      %dma_wait3A_42 = arith.constant 0 : i32
      %dma_wait3A_43 = tpu.memref_slice %arg7[%add3A_41, %dma_wait3A_42] : memref<250x80xi32, #tpu.memory_space<vmem>> -> memref<1x80xi32, #tpu.memory_space<vmem>>
      %dma_wait3A_44 = tpu.memref_squeeze %dma_wait3A_43 : memref<1x80xi32, #tpu.memory_space<vmem>> -> memref<80xi32, #tpu.memory_space<vmem>>
      %dma_wait3A_45 = arith.constant 0 : i32
      %dma_wait3A_46 = arith.constant 0 : i32
      %dma_wait3A_47 = tpu.memref_slice %arg11[%dma_wait3A_45, %dma_wait3A_46] : memref<10000x64xf32, #tpu.memory_space<vmem_shared>> -> memref<10000x64xf32, #tpu.memory_space<vmem_shared>>
      tpu.wait_indirect_dma semaphore(%arg14 : memref<!tpu.dma_semaphore, #tpu.memory_space<semaphore_mem>>) src(%dma_wait3A_47 : memref<10000x64xf32, #tpu.memory_space<vmem_shared>>) dst(%arg10 : memref<80x64xf32, #tpu.memory_space<vmem>>)
      %add3A_48 = arith.constant 1 : i32
      %add3A_49 = arith.addi %add3A_30, %add3A_48 : i32
      "tpu.region"() ({
        %run_scoped3A = tpu.sem_alloc : memref<!tpu.dma_semaphore, #tpu.memory_space<semaphore_mem>>
        %dma_start3A_57 = arith.constant 0 : i32
        %dma_start3A_58 = tpu.memref_slice %arg8[%add3A_49, %dma_start3A_57] : memref<250x80xi32, #tpu.memory_space<vmem>> -> memref<1x80xi32, #tpu.memory_space<vmem>>
        %dma_start3A_59 = tpu.memref_squeeze %dma_start3A_58 : memref<1x80xi32, #tpu.memory_space<vmem>> -> memref<80xi32, #tpu.memory_space<vmem>>
        %dma_start3A_60 = arith.constant 0 : i32
        %dma_start3A_61 = arith.constant 0 : i32
        %dma_start3A_62 = tpu.memref_slice %arg12[%dma_start3A_60, %dma_start3A_61] : memref<10000x64xf32, #tpu.memory_space<vmem_shared>> -> memref<10000x64xf32, #tpu.memory_space<vmem_shared>>
        tpu.enqueue_indirect_dma source(%arg10 : memref<80x64xf32, #tpu.memory_space<vmem>>) target(%dma_start3A_62 : memref<10000x64xf32, #tpu.memory_space<vmem_shared>>) offsets(%dma_start3A_59 : memref<80xi32, #tpu.memory_space<vmem>>) semaphore(%run_scoped3A : memref<!tpu.dma_semaphore, #tpu.memory_space<semaphore_mem>>) {add = true}
        %dma_wait3A_63 = arith.constant 0 : i32
        %dma_wait3A_64 = tpu.memref_slice %arg8[%add3A_49, %dma_wait3A_63] : memref<250x80xi32, #tpu.memory_space<vmem>> -> memref<1x80xi32, #tpu.memory_space<vmem>>
        %dma_wait3A_65 = tpu.memref_squeeze %dma_wait3A_64 : memref<1x80xi32, #tpu.memory_space<vmem>> -> memref<80xi32, #tpu.memory_space<vmem>>
        %dma_wait3A_66 = arith.constant 0 : i32
        %dma_wait3A_67 = arith.constant 0 : i32
        %dma_wait3A_68 = tpu.memref_slice %arg12[%dma_wait3A_66, %dma_wait3A_67] : memref<10000x64xf32, #tpu.memory_space<vmem_shared>> -> memref<10000x64xf32, #tpu.memory_space<vmem_shared>>
        tpu.wait_indirect_dma semaphore(%run_scoped3A : memref<!tpu.dma_semaphore, #tpu.memory_space<semaphore_mem>>) src(%arg10 : memref<80x64xf32, #tpu.memory_space<vmem>>) dst(%dma_wait3A_68 : memref<10000x64xf32, #tpu.memory_space<vmem_shared>>)
        tpu.yield
      }) : () -> ()
      %add3A_50 = arith.constant 3 : i32
      %add3A_51 = arith.addi %add3A_30, %add3A_50 : i32
      %lt3A_52 = arith.constant 250 : i32
      %lt3A_53 = arith.cmpi slt, %add3A_51, %lt3A_52 : i32
      %convert_element_type3A_54 = arith.extui %lt3A_53 : i1 to i32
      %cond3A_55 = arith.constant 0 : i32
      %cond3A_56 = arith.cmpi ne, %convert_element_type3A_54, %cond3A_55 : i32
      scf.if %cond3A_56 {
        %add3A_57 = arith.constant 3 : i32
        %add3A_58 = arith.addi %add3A_30, %add3A_57 : i32
        %dma_start3A_59 = arith.constant 0 : i32
        %dma_start3A_60 = tpu.memref_slice %arg7[%add3A_58, %dma_start3A_59] : memref<250x80xi32, #tpu.memory_space<vmem>> -> memref<1x80xi32, #tpu.memory_space<vmem>>
        %dma_start3A_61 = tpu.memref_squeeze %dma_start3A_60 : memref<1x80xi32, #tpu.memory_space<vmem>> -> memref<80xi32, #tpu.memory_space<vmem>>
        %dma_start3A_62 = arith.constant 0 : i32
        %dma_start3A_63 = arith.constant 0 : i32
        %dma_start3A_64 = tpu.memref_slice %arg11[%dma_start3A_62, %dma_start3A_63] : memref<10000x64xf32, #tpu.memory_space<vmem_shared>> -> memref<10000x64xf32, #tpu.memory_space<vmem_shared>>
        tpu.enqueue_indirect_dma source(%dma_start3A_64 : memref<10000x64xf32, #tpu.memory_space<vmem_shared>>) target(%arg10 : memref<80x64xf32, #tpu.memory_space<vmem>>) offsets(%dma_start3A_61 : memref<80xi32, #tpu.memory_space<vmem>>) semaphore(%arg14 : memref<!tpu.dma_semaphore, #tpu.memory_space<semaphore_mem>>)
      } else {
      }
    }
    %scan3A_21 = arith.constant 125 : i32
    %barrier3A_22 = arith.constant 0 : index
    tpu.barrier barrier_id(%barrier3A_22)
    %mul3A_23 = arith.constant 625 : i32
    %mul3A_24 = arith.muli %arg1, %mul3A_23 : i32
    %mul3A_25 = arith.constant 625 : i32
    %mul3A_26 = arith.muli %arg1, %mul3A_25 : i32
    "tpu.region"() ({
      %run_scoped3A = tpu.sem_alloc : memref<!tpu.dma_semaphore, #tpu.memory_space<semaphore_mem>>
      %dma_start3A_27 = arith.constant 0 : i32
      %dma_start3A_28 = arith.constant 0 : i32
      %dma_start3A_29 = tpu.memref_slice %arg6[%arg0, %dma_start3A_27, %dma_start3A_28] : memref<2x10000x64xf32, #tpu.memory_space<hbm>> -> memref<1x10000x64xf32, #tpu.memory_space<hbm>>
      %dma_start3A_30 = tpu.memref_squeeze %dma_start3A_29 : memref<1x10000x64xf32, #tpu.memory_space<hbm>> -> memref<10000x64xf32, #tpu.memory_space<hbm>>
      %dma_start3A_31 = arith.constant 0 : i32
      %dma_start3A_32 = tpu.memref_slice %dma_start3A_30[%mul3A_26, %dma_start3A_31] : memref<10000x64xf32, #tpu.memory_space<hbm>> -> memref<625x64xf32, #tpu.memory_space<hbm>>
      %dma_start3A_33 = arith.constant 0 : i32
      %dma_start3A_34 = tpu.memref_slice %arg12[%mul3A_24, %dma_start3A_33] : memref<10000x64xf32, #tpu.memory_space<vmem_shared>> -> memref<625x64xf32, #tpu.memory_space<vmem_shared>>
      tpu.enqueue_dma source(%dma_start3A_34 : memref<625x64xf32, #tpu.memory_space<vmem_shared>>) target(%dma_start3A_32 : memref<625x64xf32, #tpu.memory_space<hbm>>) target_semaphore(%run_scoped3A : memref<!tpu.dma_semaphore, #tpu.memory_space<semaphore_mem>>)
      %dma_wait3A = arith.constant 0 : i32
      %dma_wait3A_35 = arith.constant 0 : i32
      %dma_wait3A_36 = tpu.memref_slice %arg6[%arg0, %dma_wait3A, %dma_wait3A_35] : memref<2x10000x64xf32, #tpu.memory_space<hbm>> -> memref<1x10000x64xf32, #tpu.memory_space<hbm>>
      %dma_wait3A_37 = tpu.memref_squeeze %dma_wait3A_36 : memref<1x10000x64xf32, #tpu.memory_space<hbm>> -> memref<10000x64xf32, #tpu.memory_space<hbm>>
      %dma_wait3A_38 = arith.constant 0 : i32
      %dma_wait3A_39 = tpu.memref_slice %dma_wait3A_37[%mul3A_26, %dma_wait3A_38] : memref<10000x64xf32, #tpu.memory_space<hbm>> -> memref<625x64xf32, #tpu.memory_space<hbm>>
      %dma_wait3A_40 = arith.constant 0 : i32
      %dma_wait3A_41 = tpu.memref_slice %arg12[%mul3A_24, %dma_wait3A_40] : memref<10000x64xf32, #tpu.memory_space<vmem_shared>> -> memref<625x64xf32, #tpu.memory_space<vmem_shared>>
      tpu.wait_dma2 semaphore(%run_scoped3A : memref<!tpu.dma_semaphore, #tpu.memory_space<semaphore_mem>>) src(%dma_wait3A_41 : memref<625x64xf32, #tpu.memory_space<vmem_shared>>) dst(%dma_wait3A_39 : memref<625x64xf32, #tpu.memory_space<hbm>>)
      tpu.yield
    }) : () -> ()
    return
  }
}

#map = affine_map<(d0, d1) -> (0)>
#map1 = affine_map<(d0, d1) -> (0, 0)>
module attributes {stable_mosaic.version = 14 : i64} {
  func.func @k(%arg0: i32, %arg1: i32, %arg2: memref<10000xf32, #tpu.memory_space<hbm>>, %arg3: memref<32x10000xi32, #tpu.memory_space<hbm>>, %arg4: memref<32x10000xi32, #tpu.memory_space<hbm>>, %arg5: memref<10000xf32, #tpu.memory_space<hbm>>, %arg6: memref<32x10000xf32, #tpu.memory_space<hbm>>, %arg7: memref<10000xi32, #tpu.memory_space<vmem>>, %arg8: memref<10000xi32, #tpu.memory_space<vmem>>, %arg9: memref<10000xf32, #tpu.memory_space<vmem>>, %arg10: memref<10000xf32, #tpu.memory_space<vmem>>) attributes {dimension_semantics = [#tpu.dimension_semantics<core_parallel>, #tpu.dimension_semantics<subcore_parallel>], iteration_bounds = array<i64: 2, 16>, scalar_prefetch = 0 : i64, scratch_operands = 4 : i64, tpu.core_type = #tpu.core_type<sc_vector_subcore>, window_params = [{transform_indices = #map}, {transform_indices = #map1}, {transform_indices = #map1}, {transform_indices = #map}, {transform_indices = #map1}]} {
    %mul3A = arith.constant 16 : i32
    %mul3A_0 = arith.muli %arg0, %mul3A : i32
    %add3A = arith.addi %mul3A_0, %arg1 : i32
    "tpu.region"() ({
      %run_scoped3A = tpu.sem_alloc : memref<!tpu.dma_semaphore, #tpu.memory_space<semaphore_mem>>
      %dma_start3A = arith.constant 0 : i32
      %dma_start3A_5 = tpu.memref_slice %arg3[%add3A, %dma_start3A] : memref<32x10000xi32, #tpu.memory_space<hbm>> -> memref<1x10000xi32, #tpu.memory_space<hbm>>
      %dma_start3A_6 = tpu.memref_squeeze %dma_start3A_5 : memref<1x10000xi32, #tpu.memory_space<hbm>> -> memref<10000xi32, #tpu.memory_space<hbm>>
      %dma_start3A_7 = arith.constant 0 : i32
      %dma_start3A_8 = tpu.memref_slice %arg3[%add3A, %dma_start3A_7] : memref<32x10000xi32, #tpu.memory_space<hbm>> -> memref<1x10000xi32, #tpu.memory_space<hbm>>
      %dma_start3A_9 = tpu.memref_squeeze %dma_start3A_8 : memref<1x10000xi32, #tpu.memory_space<hbm>> -> memref<10000xi32, #tpu.memory_space<hbm>>
      tpu.enqueue_dma source(%dma_start3A_9 : memref<10000xi32, #tpu.memory_space<hbm>>) target(%arg7 : memref<10000xi32, #tpu.memory_space<vmem>>) target_semaphore(%run_scoped3A : memref<!tpu.dma_semaphore, #tpu.memory_space<semaphore_mem>>)
      %dma_wait3A = arith.constant 0 : i32
      %dma_wait3A_10 = tpu.memref_slice %arg3[%add3A, %dma_wait3A] : memref<32x10000xi32, #tpu.memory_space<hbm>> -> memref<1x10000xi32, #tpu.memory_space<hbm>>
      %dma_wait3A_11 = tpu.memref_squeeze %dma_wait3A_10 : memref<1x10000xi32, #tpu.memory_space<hbm>> -> memref<10000xi32, #tpu.memory_space<hbm>>
      %dma_wait3A_12 = arith.constant 0 : i32
      %dma_wait3A_13 = tpu.memref_slice %arg3[%add3A, %dma_wait3A_12] : memref<32x10000xi32, #tpu.memory_space<hbm>> -> memref<1x10000xi32, #tpu.memory_space<hbm>>
      %dma_wait3A_14 = tpu.memref_squeeze %dma_wait3A_13 : memref<1x10000xi32, #tpu.memory_space<hbm>> -> memref<10000xi32, #tpu.memory_space<hbm>>
      tpu.wait_dma2 semaphore(%run_scoped3A : memref<!tpu.dma_semaphore, #tpu.memory_space<semaphore_mem>>) src(%dma_wait3A_14 : memref<10000xi32, #tpu.memory_space<hbm>>) dst(%arg7 : memref<10000xi32, #tpu.memory_space<vmem>>)
      tpu.yield
    }) : () -> ()
    "tpu.region"() ({
      %run_scoped3A = tpu.sem_alloc : memref<!tpu.dma_semaphore, #tpu.memory_space<semaphore_mem>>
      %dma_start3A = arith.constant 0 : i32
      %dma_start3A_5 = tpu.memref_slice %arg4[%add3A, %dma_start3A] : memref<32x10000xi32, #tpu.memory_space<hbm>> -> memref<1x10000xi32, #tpu.memory_space<hbm>>
      %dma_start3A_6 = tpu.memref_squeeze %dma_start3A_5 : memref<1x10000xi32, #tpu.memory_space<hbm>> -> memref<10000xi32, #tpu.memory_space<hbm>>
      %dma_start3A_7 = arith.constant 0 : i32
      %dma_start3A_8 = tpu.memref_slice %arg4[%add3A, %dma_start3A_7] : memref<32x10000xi32, #tpu.memory_space<hbm>> -> memref<1x10000xi32, #tpu.memory_space<hbm>>
      %dma_start3A_9 = tpu.memref_squeeze %dma_start3A_8 : memref<1x10000xi32, #tpu.memory_space<hbm>> -> memref<10000xi32, #tpu.memory_space<hbm>>
      tpu.enqueue_dma source(%dma_start3A_9 : memref<10000xi32, #tpu.memory_space<hbm>>) target(%arg8 : memref<10000xi32, #tpu.memory_space<vmem>>) target_semaphore(%run_scoped3A : memref<!tpu.dma_semaphore, #tpu.memory_space<semaphore_mem>>)
      %dma_wait3A = arith.constant 0 : i32
      %dma_wait3A_10 = tpu.memref_slice %arg4[%add3A, %dma_wait3A] : memref<32x10000xi32, #tpu.memory_space<hbm>> -> memref<1x10000xi32, #tpu.memory_space<hbm>>
      %dma_wait3A_11 = tpu.memref_squeeze %dma_wait3A_10 : memref<1x10000xi32, #tpu.memory_space<hbm>> -> memref<10000xi32, #tpu.memory_space<hbm>>
      %dma_wait3A_12 = arith.constant 0 : i32
      %dma_wait3A_13 = tpu.memref_slice %arg4[%add3A, %dma_wait3A_12] : memref<32x10000xi32, #tpu.memory_space<hbm>> -> memref<1x10000xi32, #tpu.memory_space<hbm>>
      %dma_wait3A_14 = tpu.memref_squeeze %dma_wait3A_13 : memref<1x10000xi32, #tpu.memory_space<hbm>> -> memref<10000xi32, #tpu.memory_space<hbm>>
      tpu.wait_dma2 semaphore(%run_scoped3A : memref<!tpu.dma_semaphore, #tpu.memory_space<semaphore_mem>>) src(%dma_wait3A_14 : memref<10000xi32, #tpu.memory_space<hbm>>) dst(%arg8 : memref<10000xi32, #tpu.memory_space<vmem>>)
      tpu.yield
    }) : () -> ()
    "tpu.region"() ({
      %run_scoped3A = tpu.sem_alloc : memref<!tpu.dma_semaphore, #tpu.memory_space<semaphore_mem>>
      tpu.enqueue_dma source(%arg2 : memref<10000xf32, #tpu.memory_space<hbm>>) target(%arg9 : memref<10000xf32, #tpu.memory_space<vmem>>) target_semaphore(%run_scoped3A : memref<!tpu.dma_semaphore, #tpu.memory_space<semaphore_mem>>)
      tpu.wait_dma2 semaphore(%run_scoped3A : memref<!tpu.dma_semaphore, #tpu.memory_space<semaphore_mem>>) src(%arg2 : memref<10000xf32, #tpu.memory_space<hbm>>) dst(%arg9 : memref<10000xf32, #tpu.memory_space<vmem>>)
      tpu.yield
    }) : () -> ()
    "tpu.region"() ({
      %run_scoped3A = tpu.sem_alloc : memref<!tpu.dma_semaphore, #tpu.memory_space<semaphore_mem>>
      tpu.enqueue_dma source(%arg5 : memref<10000xf32, #tpu.memory_space<hbm>>) target(%arg10 : memref<10000xf32, #tpu.memory_space<vmem>>) target_semaphore(%run_scoped3A : memref<!tpu.dma_semaphore, #tpu.memory_space<semaphore_mem>>)
      tpu.wait_dma2 semaphore(%run_scoped3A : memref<!tpu.dma_semaphore, #tpu.memory_space<semaphore_mem>>) src(%arg5 : memref<10000xf32, #tpu.memory_space<hbm>>) dst(%arg10 : memref<10000xf32, #tpu.memory_space<vmem>>)
      tpu.yield
    }) : () -> ()
    %scan3A = arith.constant 0 : i32
    %scan3A_1 = arith.constant 625 : i32
    %scan3A_2 = arith.addi %scan3A, %scan3A_1 : i32
    %scan3A_3 = arith.constant 1 : i32
    scf.for %scan3A_5 = %scan3A to %scan3A_2 step %scan3A_3  : i32 {
      %mul3A_6 = arith.constant 1 : i32
      %mul3A_7 = arith.muli %scan3A_5, %mul3A_6 : i32
      %add3A_8 = arith.constant 0 : i32
      %add3A_9 = arith.addi %add3A_8, %mul3A_7 : i32
      %mul3A_10 = arith.constant 16 : i32
      %mul3A_11 = arith.muli %add3A_9, %mul3A_10 : i32
      %get3A = arith.index_cast %mul3A_11 : i32 to index
      %get3A_12 = tpu.vector_load %arg7[%get3A] {strides = array<i32>} : memref<10000xi32, #tpu.memory_space<vmem>>, vector<16xi32>,
      %mul3A_13 = arith.constant 16 : i32
      %mul3A_14 = arith.muli %add3A_9, %mul3A_13 : i32
      %get3A_15 = arith.index_cast %mul3A_14 : i32 to index
      %get3A_16 = tpu.vector_load %arg8[%get3A_15] {strides = array<i32>} : memref<10000xi32, #tpu.memory_space<vmem>>, vector<16xi32>,
      %gather3A = tpu.vector_load_idx %arg9[%get3A_12] : memref<10000xf32, #tpu.memory_space<vmem>>[vector<16xi32>], vector<16xf32>,
      tpu.vector_store_idx %arg10[%get3A_16], %gather3A {add = true} : memref<10000xf32, #tpu.memory_space<vmem>>[vector<16xi32>], vector<16xf32>,
    }
    %scan3A_4 = arith.constant 625 : i32
    "tpu.region"() ({
      %run_scoped3A = tpu.sem_alloc : memref<!tpu.dma_semaphore, #tpu.memory_space<semaphore_mem>>
      %dma_start3A = arith.constant 0 : i32
      %dma_start3A_5 = tpu.memref_slice %arg6[%add3A, %dma_start3A] : memref<32x10000xf32, #tpu.memory_space<hbm>> -> memref<1x10000xf32, #tpu.memory_space<hbm>>
      %dma_start3A_6 = tpu.memref_squeeze %dma_start3A_5 : memref<1x10000xf32, #tpu.memory_space<hbm>> -> memref<10000xf32, #tpu.memory_space<hbm>>
      %dma_start3A_7 = arith.constant 0 : i32
      %dma_start3A_8 = tpu.memref_slice %arg6[%add3A, %dma_start3A_7] : memref<32x10000xf32, #tpu.memory_space<hbm>> -> memref<1x10000xf32, #tpu.memory_space<hbm>>
      %dma_start3A_9 = tpu.memref_squeeze %dma_start3A_8 : memref<1x10000xf32, #tpu.memory_space<hbm>> -> memref<10000xf32, #tpu.memory_space<hbm>>
      tpu.enqueue_dma source(%arg10 : memref<10000xf32, #tpu.memory_space<vmem>>) target(%dma_start3A_9 : memref<10000xf32, #tpu.memory_space<hbm>>) target_semaphore(%run_scoped3A : memref<!tpu.dma_semaphore, #tpu.memory_space<semaphore_mem>>)
      %dma_wait3A = arith.constant 0 : i32
      %dma_wait3A_10 = tpu.memref_slice %arg6[%add3A, %dma_wait3A] : memref<32x10000xf32, #tpu.memory_space<hbm>> -> memref<1x10000xf32, #tpu.memory_space<hbm>>
      %dma_wait3A_11 = tpu.memref_squeeze %dma_wait3A_10 : memref<1x10000xf32, #tpu.memory_space<hbm>> -> memref<10000xf32, #tpu.memory_space<hbm>>
      %dma_wait3A_12 = arith.constant 0 : i32
      %dma_wait3A_13 = tpu.memref_slice %arg6[%add3A, %dma_wait3A_12] : memref<32x10000xf32, #tpu.memory_space<hbm>> -> memref<1x10000xf32, #tpu.memory_space<hbm>>
      %dma_wait3A_14 = tpu.memref_squeeze %dma_wait3A_13 : memref<1x10000xf32, #tpu.memory_space<hbm>> -> memref<10000xf32, #tpu.memory_space<hbm>>
      tpu.wait_dma2 semaphore(%run_scoped3A : memref<!tpu.dma_semaphore, #tpu.memory_space<semaphore_mem>>) src(%arg10 : memref<10000xf32, #tpu.memory_space<vmem>>) dst(%dma_wait3A_14 : memref<10000xf32, #tpu.memory_space<hbm>>)
      tpu.yield
    }) : () -> ()
    return
  }
}

module attributes {stable_mosaic.version = 14 : i64} {
  func.func @body(%arg0: i32, %arg1: memref<1000x32xf32, #tpu.memory_space<vmem>>, %arg2: memref<1000x128xf32, #tpu.memory_space<vmem>>, %arg3: memref<128x128xf32, #tpu.memory_space<vmem>>, %arg4: memref<2x1000x64xf32, #tpu.memory_space<vmem>>, %arg5: memref<1000x1xf32, #tpu.memory_space<vmem>>) attributes {dimension_semantics = [#tpu.dimension_semantics<arbitrary>], iteration_bounds = array<i64: 10>, scalar_prefetch = 0 : i64, scratch_operands = 0 : i64, tpu.core_type = #tpu.core_type<tc>, window_params = [{transform_indices = @transform_0, window_bounds = array<i64: 1000, 32>}, {transform_indices = @transform_1, window_bounds = array<i64: 1000, 128>}, {pipeline_mode = #tpu.pipeline_mode<synchronous>, transform_indices = @transform_2, window_bounds = array<i64: 128, 128>}, {transform_indices = @transform_3, window_bounds = array<i64: 2, 1000, 64>}, {transform_indices = @transform_4, window_bounds = array<i64: 1000, 1>}]} {
    %get3A = arith.constant 0 : index
    %get3A_0 = arith.constant 0 : index
    %get3A_1 = vector.load %arg1[%get3A, %get3A_0] : memref<1000x32xf32, #tpu.memory_space<vmem>>, vector<1000x32xf32>
    %reduce_sum3A = arith.constant dense<0.000000e+00> : vector<1000xf32>
    %reduce_sum3A_2 = vector.multi_reduction <add>, %get3A_1, %reduce_sum3A [1] : vector<1000x32xf32> to vector<1000xf32>
    %broadcast_in_dim3A = vector.shape_cast %reduce_sum3A_2 : vector<1000xf32> to vector<1000x1xf32>
    %add3A = arith.constant 1.000000e+00 : f32
    %add3A_3 = vector.broadcast %add3A : f32 to vector<1000x1xf32>
    %add3A_4 = arith.addf %broadcast_in_dim3A, %add3A_3 : vector<1000x1xf32>
    %sqrt3A = math.sqrt %add3A_4 : vector<1000x1xf32>
    %div3A = arith.constant 1.000000e+00 : f32
    %div3A_5 = vector.broadcast %div3A : f32 to vector<1000x1xf32>
    %div3A_6 = arith.divf %div3A_5, %sqrt3A : vector<1000x1xf32>
    %get3A_7 = arith.constant 0 : index
    %get3A_8 = arith.constant 0 : index
    %get3A_9 = vector.load %arg2[%get3A_7, %get3A_8] : memref<1000x128xf32, #tpu.memory_space<vmem>>, vector<1000x128xf32>
    %get3A_10 = arith.constant 0 : index
    %get3A_11 = arith.constant 0 : index
    %get3A_12 = vector.load %arg3[%get3A_10, %get3A_11] : memref<128x128xf32, #tpu.memory_space<vmem>>, vector<128x128xf32>
    %dot_general3A = arith.constant dense<0.000000e+00> : vector<1000x128xf32>
    %dot_general3A_13 = tpu.matmul %get3A_9, %get3A_12, %dot_general3A {dimension_numbers = #tpu.dot_dimension_numbers<[1], [0], [0], [1], [0, 0, 1, 1], [], []>, transpose_lhs_hint = false} : vector<1000x128xf32>, vector<128x128xf32>, vector<1000x128xf32> -> vector<1000x128xf32>
    %mul3A = vector.broadcast %div3A_6 : vector<1000x1xf32> to vector<1000x128xf32>
    %mul3A_14 = arith.mulf %dot_general3A_13, %mul3A : vector<1000x128xf32>
    %slice3A = vector.extract_strided_slice %mul3A_14 {offsets = [0, 0], sizes = [1000, 64], strides = [1, 1]} : vector<1000x128xf32> to vector<1000x64xf32>
    %swap3A = arith.constant 0 : index
    %swap3A_15 = arith.constant 0 : index
    %swap3A_16 = arith.constant 0 : index
    %swap3A_17 = vector.load %arg4[%swap3A, %swap3A_15, %swap3A_16] : memref<2x1000x64xf32, #tpu.memory_space<vmem>>, vector<1x1000x64xf32>
    %swap3A_18 = vector.shape_cast %swap3A_17 : vector<1x1000x64xf32> to vector<1000x64xf32>
    %swap3A_19 = vector.shape_cast %slice3A : vector<1000x64xf32> to vector<1x1000x64xf32>
    tpu.vector_store %arg4[%swap3A, %swap3A_15, %swap3A_16], %swap3A_19 {strides = array<i32>} : memref<2x1000x64xf32, #tpu.memory_space<vmem>>, vector<1x1000x64xf32>,
    %slice3A_20 = vector.extract_strided_slice %mul3A_14 {offsets = [0, 64], sizes = [1000, 64], strides = [1, 1]} : vector<1000x128xf32> to vector<1000x64xf32>
    %swap3A_21 = arith.constant 1 : index
    %swap3A_22 = arith.constant 0 : index
    %swap3A_23 = arith.constant 0 : index
    %swap3A_24 = vector.load %arg4[%swap3A_21, %swap3A_22, %swap3A_23] : memref<2x1000x64xf32, #tpu.memory_space<vmem>>, vector<1x1000x64xf32>
    %swap3A_25 = vector.shape_cast %swap3A_24 : vector<1x1000x64xf32> to vector<1000x64xf32>
    %swap3A_26 = vector.shape_cast %slice3A_20 : vector<1000x64xf32> to vector<1x1000x64xf32>
    tpu.vector_store %arg4[%swap3A_21, %swap3A_22, %swap3A_23], %swap3A_26 {strides = array<i32>} : memref<2x1000x64xf32, #tpu.memory_space<vmem>>, vector<1x1000x64xf32>,
    %swap3A_27 = arith.constant 0 : index
    %swap3A_28 = arith.constant 0 : index
    %swap3A_29 = vector.load %arg5[%swap3A_27, %swap3A_28] : memref<1000x1xf32, #tpu.memory_space<vmem>>, vector<1000x1xf32>
    tpu.vector_store %arg5[%swap3A_27, %swap3A_28], %div3A_6 {strides = array<i32>} : memref<1000x1xf32, #tpu.memory_space<vmem>>, vector<1000x1xf32>,
    return
  }
  func.func @transform_0(%arg0: i32) -> (i32, i32) {
    %c0_i32 = arith.constant 0 : i32
    %c0_i32_0 = arith.constant 0 : i32
    return %arg0, %c0_i32 : i32, i32
  }
  func.func @transform_1(%arg0: i32) -> (i32, i32) {
    %c0_i32 = arith.constant 0 : i32
    %c0_i32_0 = arith.constant 0 : i32
    return %arg0, %c0_i32 : i32, i32
  }
  func.func @transform_2(%arg0: i32) -> (i32, i32) {
    %c0_i32 = arith.constant 0 : i32
    %c0_i32_0 = arith.constant 0 : i32
    %c0_i32_1 = arith.constant 0 : i32
    return %c0_i32, %c0_i32_0 : i32, i32
  }
  func.func @transform_3(%arg0: i32) -> (i32, i32, i32) {
    %c0_i32 = arith.constant 0 : i32
    %c0_i32_0 = arith.constant 0 : i32
    %c0_i32_1 = arith.constant 0 : i32
    return %c0_i32, %arg0, %c0_i32_0 : i32, i32, i32
  }
  func.func @transform_4(%arg0: i32) -> (i32, i32) {
    %c0_i32 = arith.constant 0 : i32
    %c0_i32_0 = arith.constant 0 : i32
    return %arg0, %c0_i32 : i32, i32
  }
}

module attributes {stable_mosaic.version = 14 : i64} {
  func.func @body(%arg0: i32, %arg1: memref<2x1000x64xf32, #tpu.memory_space<vmem>>, %arg2: memref<2x1000x64xf32, #tpu.memory_space<vmem>>, %arg3: memref<1000x1xf32, #tpu.memory_space<vmem>>, %arg4: memref<1x128xf32, #tpu.memory_space<vmem>>, %arg5: memref<128x128xf32, #tpu.memory_space<vmem>>, %arg6: memref<2x1000x64xf32, #tpu.memory_space<vmem>>) attributes {dimension_semantics = [#tpu.dimension_semantics<arbitrary>], iteration_bounds = array<i64: 10>, scalar_prefetch = 0 : i64, scratch_operands = 0 : i64, tpu.core_type = #tpu.core_type<tc>, window_params = [{transform_indices = @transform_0, window_bounds = array<i64: 2, 1000, 64>}, {transform_indices = @transform_1, window_bounds = array<i64: 2, 1000, 64>}, {transform_indices = @transform_2, window_bounds = array<i64: 1000, 1>}, {pipeline_mode = #tpu.pipeline_mode<synchronous>, transform_indices = @transform_3, window_bounds = array<i64: 1, 128>}, {pipeline_mode = #tpu.pipeline_mode<synchronous>, transform_indices = @transform_4, window_bounds = array<i64: 128, 128>}, {transform_indices = @transform_5, window_bounds = array<i64: 2, 1000, 64>}]} {
    %get3A = arith.constant 0 : index
    %get3A_0 = arith.constant 0 : index
    %get3A_1 = vector.load %arg3[%get3A, %get3A_0] : memref<1000x1xf32, #tpu.memory_space<vmem>>, vector<1000x1xf32>
    %get3A_2 = arith.constant 0 : index
    %get3A_3 = arith.constant 0 : index
    %get3A_4 = arith.constant 0 : index
    %get3A_5 = vector.load %arg1[%get3A_2, %get3A_3, %get3A_4] : memref<2x1000x64xf32, #tpu.memory_space<vmem>>, vector<1x1000x64xf32>
    %get3A_6 = vector.shape_cast %get3A_5 : vector<1x1000x64xf32> to vector<1000x64xf32>
    %get3A_7 = arith.constant 0 : index
    %get3A_8 = arith.constant 0 : index
    %get3A_9 = arith.constant 0 : index
    %get3A_10 = vector.load %arg2[%get3A_7, %get3A_8, %get3A_9] : memref<2x1000x64xf32, #tpu.memory_space<vmem>>, vector<1x1000x64xf32>
    %get3A_11 = vector.shape_cast %get3A_10 : vector<1x1000x64xf32> to vector<1000x64xf32>
    %add3A = arith.addf %get3A_6, %get3A_11 : vector<1000x64xf32>
    %get3A_12 = arith.constant 1 : index
    %get3A_13 = arith.constant 0 : index
    %get3A_14 = arith.constant 0 : index
    %get3A_15 = vector.load %arg1[%get3A_12, %get3A_13, %get3A_14] : memref<2x1000x64xf32, #tpu.memory_space<vmem>>, vector<1x1000x64xf32>
    %get3A_16 = vector.shape_cast %get3A_15 : vector<1x1000x64xf32> to vector<1000x64xf32>
    %get3A_17 = arith.constant 1 : index
    %get3A_18 = arith.constant 0 : index
    %get3A_19 = arith.constant 0 : index
    %get3A_20 = vector.load %arg2[%get3A_17, %get3A_18, %get3A_19] : memref<2x1000x64xf32, #tpu.memory_space<vmem>>, vector<1x1000x64xf32>
    %get3A_21 = vector.shape_cast %get3A_20 : vector<1x1000x64xf32> to vector<1000x64xf32>
    %add3A_22 = arith.addf %get3A_16, %get3A_21 : vector<1000x64xf32>
    %mul3A = vector.broadcast %get3A_1 : vector<1000x1xf32> to vector<1000x64xf32>
    %mul3A_23 = arith.mulf %add3A, %mul3A : vector<1000x64xf32>
    %get3A_24 = arith.constant 0 : index
    %get3A_25 = arith.constant 0 : index
    %get3A_26 = vector.load %arg4[%get3A_24, %get3A_25] : memref<1x128xf32, #tpu.memory_space<vmem>>, vector<1x64xf32>
    %get3A_27 = vector.shape_cast %get3A_26 : vector<1x64xf32> to vector<64xf32>
    %broadcast_in_dim3A = vector.shape_cast %get3A_27 : vector<64xf32> to vector<1x64xf32>
    %add3A_28 = vector.broadcast %broadcast_in_dim3A : vector<1x64xf32> to vector<1000x64xf32>
    %add3A_29 = arith.addf %mul3A_23, %add3A_28 : vector<1000x64xf32>
    %mul3A_30 = vector.broadcast %get3A_1 : vector<1000x1xf32> to vector<1000x64xf32>
    %mul3A_31 = arith.mulf %add3A_22, %mul3A_30 : vector<1000x64xf32>
    %get3A_32 = arith.constant 0 : index
    %get3A_33 = arith.constant 64 : index
    %get3A_34 = vector.load %arg4[%get3A_32, %get3A_33] : memref<1x128xf32, #tpu.memory_space<vmem>>, vector<1x64xf32>
    %get3A_35 = vector.shape_cast %get3A_34 : vector<1x64xf32> to vector<64xf32>
    %broadcast_in_dim3A_36 = vector.shape_cast %get3A_35 : vector<64xf32> to vector<1x64xf32>
    %add3A_37 = vector.broadcast %broadcast_in_dim3A_36 : vector<1x64xf32> to vector<1000x64xf32>
    %add3A_38 = arith.addf %mul3A_31, %add3A_37 : vector<1000x64xf32>
    %max3A = arith.constant 0.000000e+00 : f32
    %max3A_39 = vector.broadcast %max3A : f32 to vector<1000x64xf32>
    %max3A_40 = arith.maximumf %add3A_29, %max3A_39 : vector<1000x64xf32>
    %max3A_41 = arith.constant 0.000000e+00 : f32
    %max3A_42 = vector.broadcast %max3A_41 : f32 to vector<1000x64xf32>
    %max3A_43 = arith.maximumf %add3A_38, %max3A_42 : vector<1000x64xf32>
    %get3A_44 = arith.constant 0 : index
    %get3A_45 = arith.constant 0 : index
    %get3A_46 = vector.load %arg5[%get3A_44, %get3A_45] : memref<128x128xf32, #tpu.memory_space<vmem>>, vector<128x128xf32>
    %slice3A = vector.extract_strided_slice %get3A_46 {offsets = [0, 0], sizes = [64, 128], strides = [1, 1]} : vector<128x128xf32> to vector<64x128xf32>
    %dot_general3A = arith.constant dense<0.000000e+00> : vector<1000x128xf32>
    %dot_general3A_47 = tpu.matmul %max3A_40, %slice3A, %dot_general3A {dimension_numbers = #tpu.dot_dimension_numbers<[1], [0], [0], [1], [0, 0, 1, 1], [], []>, transpose_lhs_hint = false} : vector<1000x64xf32>, vector<64x128xf32>, vector<1000x128xf32> -> vector<1000x128xf32>
    %get3A_48 = arith.constant 0 : index
    %get3A_49 = arith.constant 0 : index
    %get3A_50 = vector.load %arg5[%get3A_48, %get3A_49] : memref<128x128xf32, #tpu.memory_space<vmem>>, vector<128x128xf32>
    %slice3A_51 = vector.extract_strided_slice %get3A_50 {offsets = [64, 0], sizes = [64, 128], strides = [1, 1]} : vector<128x128xf32> to vector<64x128xf32>
    %dot_general3A_52 = arith.constant dense<0.000000e+00> : vector<1000x128xf32>
    %dot_general3A_53 = tpu.matmul %max3A_43, %slice3A_51, %dot_general3A_52 {dimension_numbers = #tpu.dot_dimension_numbers<[1], [0], [0], [1], [0, 0, 1, 1], [], []>, transpose_lhs_hint = false} : vector<1000x64xf32>, vector<64x128xf32>, vector<1000x128xf32> -> vector<1000x128xf32>
    %add3A_54 = arith.addf %dot_general3A_47, %dot_general3A_53 : vector<1000x128xf32>
    %mul3A_55 = vector.broadcast %get3A_1 : vector<1000x1xf32> to vector<1000x128xf32>
    %mul3A_56 = arith.mulf %add3A_54, %mul3A_55 : vector<1000x128xf32>
    %slice3A_57 = vector.extract_strided_slice %mul3A_56 {offsets = [0, 0], sizes = [1000, 64], strides = [1, 1]} : vector<1000x128xf32> to vector<1000x64xf32>
    %swap3A = arith.constant 0 : index
    %swap3A_58 = arith.constant 0 : index
    %swap3A_59 = arith.constant 0 : index
    %swap3A_60 = vector.load %arg6[%swap3A, %swap3A_58, %swap3A_59] : memref<2x1000x64xf32, #tpu.memory_space<vmem>>, vector<1x1000x64xf32>
    %swap3A_61 = vector.shape_cast %swap3A_60 : vector<1x1000x64xf32> to vector<1000x64xf32>
    %swap3A_62 = vector.shape_cast %slice3A_57 : vector<1000x64xf32> to vector<1x1000x64xf32>
    tpu.vector_store %arg6[%swap3A, %swap3A_58, %swap3A_59], %swap3A_62 {strides = array<i32>} : memref<2x1000x64xf32, #tpu.memory_space<vmem>>, vector<1x1000x64xf32>,
    %slice3A_63 = vector.extract_strided_slice %mul3A_56 {offsets = [0, 64], sizes = [1000, 64], strides = [1, 1]} : vector<1000x128xf32> to vector<1000x64xf32>
    %swap3A_64 = arith.constant 1 : index
    %swap3A_65 = arith.constant 0 : index
    %swap3A_66 = arith.constant 0 : index
    %swap3A_67 = vector.load %arg6[%swap3A_64, %swap3A_65, %swap3A_66] : memref<2x1000x64xf32, #tpu.memory_space<vmem>>, vector<1x1000x64xf32>
    %swap3A_68 = vector.shape_cast %swap3A_67 : vector<1x1000x64xf32> to vector<1000x64xf32>
    %swap3A_69 = vector.shape_cast %slice3A_63 : vector<1000x64xf32> to vector<1x1000x64xf32>
    tpu.vector_store %arg6[%swap3A_64, %swap3A_65, %swap3A_66], %swap3A_69 {strides = array<i32>} : memref<2x1000x64xf32, #tpu.memory_space<vmem>>, vector<1x1000x64xf32>,
    return
  }
  func.func @transform_0(%arg0: i32) -> (i32, i32, i32) {
    %c0_i32 = arith.constant 0 : i32
    %c0_i32_0 = arith.constant 0 : i32
    %c0_i32_1 = arith.constant 0 : i32
    return %c0_i32, %arg0, %c0_i32_0 : i32, i32, i32
  }
  func.func @transform_1(%arg0: i32) -> (i32, i32, i32) {
    %c0_i32 = arith.constant 0 : i32
    %c0_i32_0 = arith.constant 0 : i32
    %c0_i32_1 = arith.constant 0 : i32
    return %c0_i32, %arg0, %c0_i32_0 : i32, i32, i32
  }
  func.func @transform_2(%arg0: i32) -> (i32, i32) {
    %c0_i32 = arith.constant 0 : i32
    %c0_i32_0 = arith.constant 0 : i32
    return %arg0, %c0_i32 : i32, i32
  }
  func.func @transform_3(%arg0: i32) -> (i32, i32) {
    %c0_i32 = arith.constant 0 : i32
    %c0_i32_0 = arith.constant 0 : i32
    %c0_i32_1 = arith.constant 0 : i32
    return %c0_i32, %c0_i32_0 : i32, i32
  }
  func.func @transform_4(%arg0: i32) -> (i32, i32) {
    %c0_i32 = arith.constant 0 : i32
    %c0_i32_0 = arith.constant 0 : i32
    %c0_i32_1 = arith.constant 0 : i32
    return %c0_i32, %c0_i32_0 : i32, i32
  }
  func.func @transform_5(%arg0: i32) -> (i32, i32, i32) {
    %c0_i32 = arith.constant 0 : i32
    %c0_i32_0 = arith.constant 0 : i32
    %c0_i32_1 = arith.constant 0 : i32
    return %c0_i32, %arg0, %c0_i32_0 : i32, i32, i32
  }
}

module attributes {stable_mosaic.version = 14 : i64} {
  func.func @body(%arg0: i32, %arg1: memref<2x1000x64xf32, #tpu.memory_space<vmem>>, %arg2: memref<2x1000x64xf32, #tpu.memory_space<vmem>>, %arg3: memref<1000x1xf32, #tpu.memory_space<vmem>>, %arg4: memref<1x128xf32, #tpu.memory_space<vmem>>, %arg5: memref<128x1xf32, #tpu.memory_space<vmem>>, %arg6: memref<1000x1xf32, #tpu.memory_space<vmem>>) attributes {dimension_semantics = [#tpu.dimension_semantics<arbitrary>], iteration_bounds = array<i64: 10>, scalar_prefetch = 0 : i64, scratch_operands = 0 : i64, tpu.core_type = #tpu.core_type<tc>, window_params = [{transform_indices = @transform_0, window_bounds = array<i64: 2, 1000, 64>}, {transform_indices = @transform_1, window_bounds = array<i64: 2, 1000, 64>}, {transform_indices = @transform_2, window_bounds = array<i64: 1000, 1>}, {pipeline_mode = #tpu.pipeline_mode<synchronous>, transform_indices = @transform_3, window_bounds = array<i64: 1, 128>}, {pipeline_mode = #tpu.pipeline_mode<synchronous>, transform_indices = @transform_4, window_bounds = array<i64: 128, 1>}, {transform_indices = @transform_5, window_bounds = array<i64: 1000, 1>}]} {
    %get3A = arith.constant 0 : index
    %get3A_0 = arith.constant 0 : index
    %get3A_1 = vector.load %arg3[%get3A, %get3A_0] : memref<1000x1xf32, #tpu.memory_space<vmem>>, vector<1000x1xf32>
    %get3A_2 = arith.constant 0 : index
    %get3A_3 = arith.constant 0 : index
    %get3A_4 = arith.constant 0 : index
    %get3A_5 = vector.load %arg1[%get3A_2, %get3A_3, %get3A_4] : memref<2x1000x64xf32, #tpu.memory_space<vmem>>, vector<1x1000x64xf32>
    %get3A_6 = vector.shape_cast %get3A_5 : vector<1x1000x64xf32> to vector<1000x64xf32>
    %get3A_7 = arith.constant 0 : index
    %get3A_8 = arith.constant 0 : index
    %get3A_9 = arith.constant 0 : index
    %get3A_10 = vector.load %arg2[%get3A_7, %get3A_8, %get3A_9] : memref<2x1000x64xf32, #tpu.memory_space<vmem>>, vector<1x1000x64xf32>
    %get3A_11 = vector.shape_cast %get3A_10 : vector<1x1000x64xf32> to vector<1000x64xf32>
    %add3A = arith.addf %get3A_6, %get3A_11 : vector<1000x64xf32>
    %get3A_12 = arith.constant 1 : index
    %get3A_13 = arith.constant 0 : index
    %get3A_14 = arith.constant 0 : index
    %get3A_15 = vector.load %arg1[%get3A_12, %get3A_13, %get3A_14] : memref<2x1000x64xf32, #tpu.memory_space<vmem>>, vector<1x1000x64xf32>
    %get3A_16 = vector.shape_cast %get3A_15 : vector<1x1000x64xf32> to vector<1000x64xf32>
    %get3A_17 = arith.constant 1 : index
    %get3A_18 = arith.constant 0 : index
    %get3A_19 = arith.constant 0 : index
    %get3A_20 = vector.load %arg2[%get3A_17, %get3A_18, %get3A_19] : memref<2x1000x64xf32, #tpu.memory_space<vmem>>, vector<1x1000x64xf32>
    %get3A_21 = vector.shape_cast %get3A_20 : vector<1x1000x64xf32> to vector<1000x64xf32>
    %add3A_22 = arith.addf %get3A_16, %get3A_21 : vector<1000x64xf32>
    %mul3A = vector.broadcast %get3A_1 : vector<1000x1xf32> to vector<1000x64xf32>
    %mul3A_23 = arith.mulf %add3A, %mul3A : vector<1000x64xf32>
    %get3A_24 = arith.constant 0 : index
    %get3A_25 = arith.constant 0 : index
    %get3A_26 = vector.load %arg4[%get3A_24, %get3A_25] : memref<1x128xf32, #tpu.memory_space<vmem>>, vector<1x64xf32>
    %get3A_27 = vector.shape_cast %get3A_26 : vector<1x64xf32> to vector<64xf32>
    %broadcast_in_dim3A = vector.shape_cast %get3A_27 : vector<64xf32> to vector<1x64xf32>
    %add3A_28 = vector.broadcast %broadcast_in_dim3A : vector<1x64xf32> to vector<1000x64xf32>
    %add3A_29 = arith.addf %mul3A_23, %add3A_28 : vector<1000x64xf32>
    %mul3A_30 = vector.broadcast %get3A_1 : vector<1000x1xf32> to vector<1000x64xf32>
    %mul3A_31 = arith.mulf %add3A_22, %mul3A_30 : vector<1000x64xf32>
    %get3A_32 = arith.constant 0 : index
    %get3A_33 = arith.constant 64 : index
    %get3A_34 = vector.load %arg4[%get3A_32, %get3A_33] : memref<1x128xf32, #tpu.memory_space<vmem>>, vector<1x64xf32>
    %get3A_35 = vector.shape_cast %get3A_34 : vector<1x64xf32> to vector<64xf32>
    %broadcast_in_dim3A_36 = vector.shape_cast %get3A_35 : vector<64xf32> to vector<1x64xf32>
    %add3A_37 = vector.broadcast %broadcast_in_dim3A_36 : vector<1x64xf32> to vector<1000x64xf32>
    %add3A_38 = arith.addf %mul3A_31, %add3A_37 : vector<1000x64xf32>
    %max3A = arith.constant 0.000000e+00 : f32
    %max3A_39 = vector.broadcast %max3A : f32 to vector<1000x64xf32>
    %max3A_40 = arith.maximumf %add3A_29, %max3A_39 : vector<1000x64xf32>
    %max3A_41 = arith.constant 0.000000e+00 : f32
    %max3A_42 = vector.broadcast %max3A_41 : f32 to vector<1000x64xf32>
    %max3A_43 = arith.maximumf %add3A_38, %max3A_42 : vector<1000x64xf32>
    %get3A_44 = arith.constant 0 : index
    %get3A_45 = arith.constant 0 : index
    %get3A_46 = vector.load %arg5[%get3A_44, %get3A_45] : memref<128x1xf32, #tpu.memory_space<vmem>>, vector<128x1xf32>
    %slice3A = vector.extract_strided_slice %get3A_46 {offsets = [0, 0], sizes = [64, 1], strides = [1, 1]} : vector<128x1xf32> to vector<64x1xf32>
    %dot_general3A = arith.constant dense<0.000000e+00> : vector<1000x1xf32>
    %dot_general3A_47 = tpu.matmul %max3A_40, %slice3A, %dot_general3A {dimension_numbers = #tpu.dot_dimension_numbers<[1], [0], [0], [1], [0, 0, 1, 1], [], []>, transpose_lhs_hint = false} : vector<1000x64xf32>, vector<64x1xf32>, vector<1000x1xf32> -> vector<1000x1xf32>
    %get3A_48 = arith.constant 0 : index
    %get3A_49 = arith.constant 0 : index
    %get3A_50 = vector.load %arg5[%get3A_48, %get3A_49] : memref<128x1xf32, #tpu.memory_space<vmem>>, vector<128x1xf32>
    %slice3A_51 = vector.extract_strided_slice %get3A_50 {offsets = [64, 0], sizes = [64, 1], strides = [1, 1]} : vector<128x1xf32> to vector<64x1xf32>
    %dot_general3A_52 = arith.constant dense<0.000000e+00> : vector<1000x1xf32>
    %dot_general3A_53 = tpu.matmul %max3A_43, %slice3A_51, %dot_general3A_52 {dimension_numbers = #tpu.dot_dimension_numbers<[1], [0], [0], [1], [0, 0, 1, 1], [], []>, transpose_lhs_hint = false} : vector<1000x64xf32>, vector<64x1xf32>, vector<1000x1xf32> -> vector<1000x1xf32>
    %add3A_54 = arith.addf %dot_general3A_47, %dot_general3A_53 : vector<1000x1xf32>
    %mul3A_55 = arith.mulf %add3A_54, %get3A_1 : vector<1000x1xf32>
    %swap3A = arith.constant 0 : index
    %swap3A_56 = arith.constant 0 : index
    %swap3A_57 = vector.load %arg6[%swap3A, %swap3A_56] : memref<1000x1xf32, #tpu.memory_space<vmem>>, vector<1000x1xf32>
    tpu.vector_store %arg6[%swap3A, %swap3A_56], %mul3A_55 {strides = array<i32>} : memref<1000x1xf32, #tpu.memory_space<vmem>>, vector<1000x1xf32>,
    return
  }
  func.func @transform_0(%arg0: i32) -> (i32, i32, i32) {
    %c0_i32 = arith.constant 0 : i32
    %c0_i32_0 = arith.constant 0 : i32
    %c0_i32_1 = arith.constant 0 : i32
    return %c0_i32, %arg0, %c0_i32_0 : i32, i32, i32
  }
  func.func @transform_1(%arg0: i32) -> (i32, i32, i32) {
    %c0_i32 = arith.constant 0 : i32
    %c0_i32_0 = arith.constant 0 : i32
    %c0_i32_1 = arith.constant 0 : i32
    return %c0_i32, %arg0, %c0_i32_0 : i32, i32, i32
  }
  func.func @transform_2(%arg0: i32) -> (i32, i32) {
    %c0_i32 = arith.constant 0 : i32
    %c0_i32_0 = arith.constant 0 : i32
    return %arg0, %c0_i32 : i32, i32
  }
  func.func @transform_3(%arg0: i32) -> (i32, i32) {
    %c0_i32 = arith.constant 0 : i32
    %c0_i32_0 = arith.constant 0 : i32
    %c0_i32_1 = arith.constant 0 : i32
    return %c0_i32, %c0_i32_0 : i32, i32
  }
  func.func @transform_4(%arg0: i32) -> (i32, i32) {
    %c0_i32 = arith.constant 0 : i32
    %c0_i32_0 = arith.constant 0 : i32
    %c0_i32_1 = arith.constant 0 : i32
    return %c0_i32, %c0_i32_0 : i32, i32
  }
  func.func @transform_5(%arg0: i32) -> (i32, i32) {
    %c0_i32 = arith.constant 0 : i32
    %c0_i32_0 = arith.constant 0 : i32
    return %arg0, %c0_i32 : i32, i32
  }
}

module attributes {stable_mosaic.version = 14 : i64} {
  func.func @body(%arg0: memref<32x10000xf32, #tpu.memory_space<vmem>>, %arg1: memref<10000xf32, #tpu.memory_space<vmem>>, %arg2: memref<10000x1xf32, #tpu.memory_space<vmem>>, %arg3: memref<1xf32, #tpu.memory_space<vmem>>, %arg4: memref<10000xf32, #tpu.memory_space<vmem>>) attributes {dimension_semantics = [], scalar_prefetch = 0 : i64, scratch_operands = 0 : i64, tpu.core_type = #tpu.core_type<tc>} {
    %get3A = arith.constant 0 : index
    %get3A_0 = arith.constant 0 : index
    %get3A_1 = vector.load %arg0[%get3A, %get3A_0] : memref<32x10000xf32, #tpu.memory_space<vmem>>, vector<32x10000xf32>
    %reduce_sum3A = arith.constant dense<0.000000e+00> : vector<10000xf32>
    %reduce_sum3A_2 = vector.multi_reduction <add>, %get3A_1, %reduce_sum3A [0] : vector<32x10000xf32> to vector<10000xf32>
    %get3A_3 = arith.constant 0 : index
    %get3A_4 = arith.constant 0 : index
    %get3A_5 = vector.load %arg2[%get3A_3, %get3A_4] : memref<10000x1xf32, #tpu.memory_space<vmem>>, vector<10000x1xf32>
    %squeeze3A = vector.shape_cast %get3A_5 : vector<10000x1xf32> to vector<10000xf32>
    %get3A_6 = arith.constant 0 : index
    %get3A_7 = vector.load %arg1[%get3A_6] : memref<10000xf32, #tpu.memory_space<vmem>>, vector<10000xf32>
    %add3A = arith.addf %reduce_sum3A_2, %get3A_7 : vector<10000xf32>
    %mul3A = arith.mulf %squeeze3A, %add3A : vector<10000xf32>
    %get3A_8 = arith.constant 0 : index
    %get3A_9 = vector.load %arg3[%get3A_8] : memref<1xf32, #tpu.memory_space<vmem>>, vector<1xf32>
    %get3A_10 = vector.extract %get3A_9[0] : f32 from vector<1xf32>
    %add3A_11 = vector.broadcast %get3A_10 : f32 to vector<10000xf32>
    %add3A_12 = arith.addf %mul3A, %add3A_11 : vector<10000xf32>
    %swap3A = arith.constant 0 : index
    %swap3A_13 = vector.load %arg4[%swap3A] : memref<10000xf32, #tpu.memory_space<vmem>>, vector<10000xf32>
    tpu.vector_store %arg4[%swap3A], %add3A_12 {strides = array<i32>} : memref<10000xf32, #tpu.memory_space<vmem>>, vector<10000xf32>,
    return
  }
}

</mosaic_0001>

<sc_bundles>
// kernel: kernel.10.cloned.1.call-start
scs
__scs_entry_jumppad:
0x0: {  	(pc) =	sbr.rel $0x88, $3  }
0x1: {  	(tag) =	ssettag $0x0;
	lr =	simm.s32 $0x1  }
0x2: {  	[smem:$0x3F99] =	sst lr;
	_ =	strace $0xD0000000  }
0x3: {  	_ = 	snop  }
0x4: {  	_ = 	snop  }
0x5: {  	_ = 	snop  }
0x6: {  	_ = 	snop  }
0x7: {  	_ = 	snop  }
__scs_overlays_trampoline_lowered:
0x8: {  	[smem:$0x3FA8] =	sst s0  }
0x9: {  	[smem:$0x3FA9] =	sst s1  }
0xa: {  	[smem:$0x3FAA] =	sst s2  }
0xb: {  	[smem:$0x3FAB] =	sst s3  }
0xc: {  	[smem:$0x3FAC] =	sst s4  }
0xd: {  	[smem:$0x3FAD] =	sst s5  }
0xe: {  	[smem:$0x3FAE] =	sst s6  }
0xf: {  	[smem:$0x3FAF] =	sst s7  }
0x10: {  	[smem:$0x3FB0] =	sst s8  }
0x11: {  	[smem:$0x3FB1] =	sst s9;
	s0 =	simm.s32 @!p0 $0x0  }
0x12: {  	s1 =	sld [smem:$0x3F97];
	s0 =	simm.s32 @p0 $0x1  }
0x13: {  	[smem:$0x3FB2] =	sst s0;
	s0 =	simm.s32 @!p1 $0x0  }
0x14: {  	s2 =	sld [smem:$0x3F96];
	s0 =	simm.s32 @p1 $0x1  }
0x15: {  	[smem:$0x3FB3] =	sst s0;
	s0 =	simm.s32 @!p2 $0x0  }
0x16: {  	s3 =	sld [smem:$0x3FDB];
	s0 =	simm.s32 @p2 $0x1  }
0x17: {  	s4 =	simm.s32 $0x1BF5;
	[smem:$0x3FB5] =	sst s0  }
0x18: {  	s0 =	sld [smem:$0x3F98];
	_ =	swait.ge [sflag:s4], $0x0  }
0x19: {  	s7 =	sld [smem:$0x3F99]  }
0x1a: {  	s8 =	sadd.s32 $0xFFFFE003, lr  }
0x1b: {  	s9 =	sadd.s32 $0xFFFFFEF7, lr;
	s5 =	simm.s32 $0xFFFFFFFF;
	p2 =	slt.u32 s8, $0xFFFFF086  }
0x1c: {  	p1 =	slt.u32 s9, $0xF7A;
	s5 =	simm.s32 @!p2 $0x0  }
0x1d: {  	s5 =	simm.s32 @p1 $0x1;
	p0 =	seq.s32 s7, s2  }
0x1e: {  	s7 =	smul.u32 @!p0 $0xF7A, s2;
	p2 =	seq.s32 @!p0 s5, $0x0  }
0x1f: {  	s9 =	smul.u32 $0xF7A, s1;
	s8 =	simm.s32 @!p0 $0x1BF5;
	p2 =	por !p2, p0  }
0x20: {  	[sflag:s8] =	ssyncset.s32 @!p0 $0xFFFFF086;
	s6 =	sadd.s32 @!p0 s3, s7;
	s7 =	simm.s32 @!p0 $0x108  }
0x21: {  	s3 =	sadd.s32 s3, s9;
	s6 =	sadd.s32 @!p0 $0x88, s6;
	s7 =	simm.s32 @p2 $0x1082  }
0x22: {  	[simem:s7], [sflag:s8] =	dma.local @!p0 [hbm:s6], $0xF7A  }
0x23: {  	s9 =	sor.u32 $0xD0000000, s2;
	s6 =	simm.s32 $0x108;
	_ =	swait.ge @!p0 [sflag:s8], $0x0  }
0x24: {  	s3 =	sadd.s32 $0x88, s3;
	s6 =	simm.s32 @!p1 $0x1082;
	[sflag:s4] =	ssyncset.s32 $0xFFFFF086  }
0x25: {  	[simem:s6], [sflag:s4] =	dma.local [hbm:s3], $0xF7A  }
0x26: {  	[smem:$0x3F99] =	sst s1;
	(tag) =	ssettag s2;
	_ =	strace s9  }
0x27: {  	s1 =	sld [smem:$0x3FA9]  }
0x28: {  	s2 =	sld [smem:$0x3FAA]  }
0x29: {  	s4 =	sld [smem:$0x3FAC]  }
0x2a: {  	p0 =	seq.s32 s5, $0x0;
	s5 =	sld [smem:$0x3FAD]  }
0x2b: {  	s6 =	sld [smem:$0x3FAE]  }
0x2c: {  	s7 =	sld [smem:$0x3FAF]  }
0x2d: {  	s3 =	simm.s32 $0x108;
	s8 =	sld [smem:$0x3FB0]  }
0x2e: {  	s3 =	simm.s32 @!p0 $0x1082;
	s9 =	sld [smem:$0x3FB1]  }
0x2f: {  	lr =	sadd.s32 s0, s3;
	s0 =	sld [smem:$0x3FA8]  }
0x30: {  	s3 =	sld [smem:$0x3FAB]  }
0x31: {  	[smem:$0x3FB4] =	sst s10  }
0x32: {  	s10 =	sld [smem:$0x3FB2];
	_ =	sdelay $0x3  }
0x33: {  	p0 =	seq.s32 s10, $0x1;
	s10 =	sld [smem:$0x3FB4];
	_ =	sdelay $0x3  }
0x34: {  	[smem:$0x3FB4] =	sst s10  }
0x35: {  	s10 =	sld [smem:$0x3FB3];
	_ =	sdelay $0x3  }
0x36: {  	p1 =	seq.s32 s10, $0x1;
	s10 =	sld [smem:$0x3FB4];
	_ =	sdelay $0x3  }
0x37: {  	[smem:$0x3FB4] =	sst s10  }
0x38: {  	s10 =	sld [smem:$0x3FB5]  }
0x39: {  	_ = 	snop;
	(pc) =	sbr.ind lr, $3  }
0x3a: {  	_ = 	snop  }
0x3b: {  	_ = 	snop  }
0x3c: {  	p2 =	seq.s32 s10, $0x1;
	s10 =	sld [smem:$0x3FB4]  }
0x3d: {  	_ =	shalt  }
0x3e: {  	_ =	shalt  }
0x3f: {  	_ =	shalt  }
0x40: {  	_ =	shalt  }
0x41: {  	_ =	shalt  }
0x42: {  	_ =	shalt  }
0x43: {  	_ =	shalt  }
0x44: {  	_ =	shalt  }
0x45: {  	_ =	shalt  }
0x46: {  	_ =	shalt  }
0x47: {  	_ =	shalt  }
0x48: {  	_ =	shalt  }
0x49: {  	_ =	shalt  }
0x4a: {  	_ =	shalt  }
0x4b: {  	_ =	shalt  }
0x4c: {  	_ =	shalt  }
0x4d: {  	_ =	shalt  }
0x4e: {  	_ =	shalt  }
0x4f: {  	_ =	shalt  }
0x50: {  	_ =	shalt  }
0x51: {  	_ =	shalt  }
0x52: {  	_ =	shalt  }
0x53: {  	_ =	shalt  }
0x54: {  	_ =	shalt  }
0x55: {  	_ =	shalt  }
0x56: {  	_ =	shalt  }
0x57: {  	_ =	shalt  }
0x58: {  	_ =	shalt  }
0x59: {  	_ =	shalt  }
0x5a: {  	_ =	shalt  }
0x5b: {  	_ =	shalt  }
0x5c: {  	_ =	shalt  }
0x5d: {  	_ =	shalt  }
0x5e: {  	_ =	shalt  }
0x5f: {  	_ =	shalt  }
0x60: {  	_ =	shalt  }
0x61: {  	_ =	shalt  }
0x62: {  	_ =	shalt  }
0x63: {  	_ =	shalt  }
0x64: {  	_ =	shalt  }
0x65: {  	_ =	shalt  }
0x66: {  	_ =	shalt  }
0x67: {  	_ =	shalt  }
0x68: {  	_ =	shalt  }
0x69: {  	_ =	shalt  }
0x6a: {  	_ =	shalt  }
0x6b: {  	_ =	shalt  }
0x6c: {  	_ =	shalt  }
0x6d: {  	_ =	shalt  }
0x6e: {  	_ =	shalt  }
0x6f: {  	_ =	shalt  }
0x70: {  	_ =	shalt  }
0x71: {  	_ =	shalt  }
0x72: {  	_ =	shalt  }
0x73: {  	_ =	shalt  }
0x74: {  	_ =	shalt  }
0x75: {  	_ =	shalt  }
0x76: {  	_ =	shalt  }
0x77: {  	_ =	shalt  }
0x78: {  	_ =	shalt  }
0x79: {  	_ =	shalt  }
0x7a: {  	_ =	shalt  }
0x7b: {  	_ =	shalt  }
0x7c: {  	_ =	shalt  }
0x7d: {  	_ =	shalt  }
0x7e: {  	_ =	shalt  }
0x7f: {  	_ =	shalt  }
0x80: {  	_ =	shalt  }
0x81: {  	_ =	shalt  }
0x82: {  	_ =	shalt  }
0x83: {  	_ =	shalt  }
0x84: {  	_ =	shalt  }
0x85: {  	_ =	shalt  }
0x86: {  	_ =	shalt  }
0x87: {  	_ =	shalt  }
.Lfunc_end0:
.L_simem_size_0:
called_computation_lowered:
.L_overlay_start_0:
0x88: {  	s2 =	sld [smem:$0x3FD9]  }
0x89: {  	s3 =	sld [smem:$0x3FFE];
	_ =	sdelay $0x1  }
0x8a: {  	s1 =	srdreg.scid  }
0x8b: {  	s0 =	sand.u32 $0x1, s1  }
0x8c: {  	s17 =	sshll.u32 s0, $0xA;
	s2 =	sadd.s32 s3, s2  }
0x8d: {  	s2 =	sadd.s32 s2, s17  }
0x8e: {  	[smem:$0x3FC0] =	sst s2  }
0x8f: {  	_ = 	snop  }
0x90: {  	s2 =	sld [smem:$0x3FD0];
	(tm) =	ssettm $0x1  }
0x91: {  	s18 =	sld [smem:$0x3FFB];
	_ =	sdelay $0x3  }
0x92: {  	_ =	strace s18  }
0x93: {  	s3 =	sld [smem:$0x3FFC];
	_ =	sdelay $0x3  }
0x94: {  	_ =	strace s3  }
0x95: {  	s3 =	sld [smem:$0x3FFD];
	_ =	sdelay $0x3  }
0x96: {  	_ =	strace s3  }
0x97: {  	_ =	strace $0x8FFFFFFF  }
0x98: {  	s19 =	sld [smem:$0x3FDB];
	_ =	sdelay $0x1  }
0x99: {  	s4 =	simm.s32 $_scs_section_size  }
0x9a: {  	s5 =	simm.s32 $_size__tile_overlayer_lowered;
	s6 =	simm.s32 $_tile_overlayer_lowered  }
0x9b: {  	s22 =	simm.s32 $0x1BFF;
	s21 =	sshll.u32 s6, $0x1;
	s3 =	sadd.s32 s4, s19  }
0x9c: {  	s7 =	simm.s32 $0x0;
	s20 =	sshll.u32 s5, $0x1;
	s5 =	sadd.s32 s21, s3  }
0x9d: {  	[timem:s7], [sflag:s22] =	dma.local [hbm:s5], s20  }
0x9e: {  	_ =	swait.ge [sflag:s22], s20  }
0x9f: {  	s4 =	ssub.s32 $0x0, s20;
	[sflag:s22] =	ssyncset.done $0x0  }
0xa0: {  	[sflag:s22] =	ssyncadd.s32 s4;
	_ =	sdelay $0x1  }
0xa1: {  	s23 =	simm.s32 $0x1B8B  }
0xa2: {  	_ =	swait.ge [sflag:s23], $0x1  }
0xa3: {  	[sflag:s23] =	ssyncset.done $0x0  }
0xa4: {  	s25 =	simm.s32 $0x1B8E;
	s24 =	sld [smem:$0x3FFE];
	[sflag:s23] =	ssyncadd.s32 $0xFFFFFFFF  }
0xa5: {  	s26 =	simm.s32 $execute0_lowered;
	[smem:$0x3FD2] =	sst s25  }
0xa6: {  	s5 =	sshll.u32 s26, $0x1;
	_ =	strace $0x80000046;
	[dreg:$0x1] =	wrdreg $0xFFFFFFFF  }
0xa7: {  	s28 =	simm.s32 $_size_execute0_lowered;
	s3 =	sadd.s32 s3, s5;
	[dreg:$0x0] =	wrdreg $0x0  }
0xa8: {  	s5 =	sshll.u32 s28, $0x1;
	[dreg:$0x2] =	wrdreg s3  }
0xa9: {  	[dreg:$0x3] =	wrdreg s5  }
0xaa: {  	[dreg:$0x4] =	wrdreg $0xC0  }
0xab: {  	_ =	task [dreg:s7], $0x5FFFF  }
0xac: {  	[dreg:$0x1] =	wrdreg $0xFFFFFFFF  }
0xad: {  	[dreg:$0x0] =	wrdreg $0x60  }
0xae: {  	[dreg:$0x2] =	wrdreg s24  }
0xaf: {  	[dreg:$0x3] =	wrdreg s2  }
0xb0: {  	[dreg:$0x4] =	wrdreg $0x9  }
0xb1: {  	_ =	task.clear_ibuf [dreg:s7], $0x5FFFF;
	_ =	strace $0x90000046  }
0xb2: {  	s29 =	simm.s32 $0x9;
	_ =	strace $0x80000048  }
0xb3: {  	_ =	swait.ge [sflag:s29], $0x1  }
0xb4: {  	[sflag:s29] =	ssyncadd.s32 $0xFFFFFFFF  }
0xb5: {  	_ =	strace $0x90000048  }
0xb6: {  	_ =	sfence  }
0xb7: {  	s30 =	sld [smem:$0x0];
	_ =	sdelay $0x2  }
0xb8: {  	s31 =	sshll.u32 s1, $0xD;
	s1 =	sshrl.u32 s1, $0x2  }
0xb9: {  	s3 =	sand.u32 $0x4000, s31;
	s1 =	sadd.s32 s1, s30  }
0xba: {  	s0 =	sor.u32 s3, s0;
	s1 =	sshll.u32 s1, $0x11  }
0xbb: {  	s0 =	sor.u32 s1, s0  }
0xbc: {  	s0 =	sadd.s32 $0x8F2B, s0  }
0xbd: {  	[sflag:s0] =	ssyncadd.remote.s32 $0x1  }
0xbe: {  	_ =	sfence.sel $0xFFFF  }
0xbf: {  	[dreg:$0x0] =	wrdreg $0xFFFFFFFF;
	(pc) =	sbr.abs _section_cstart, $3  }
0xc0: {  	[dreg:$0x1] =	wrdreg $0xFFFFFFFF  }
0xc1: {  	_ =	task.clear_ibuf [dreg:s7], $0x2FFFF;
	_ =	strace $0x9FFFFFFF  }
0xc2: {  	(tm) =	ssettm $0x7FFFFFFF  }
0xc3: {  	_ =	shalt  }
tec
execute0_lowered:
.L_overlay_start_1:
0x0: {  	(tag) =	ssettag $0x1  }
0x1: {  	s0 =	srdreg.scid  }
0x2: {  	s5 =	sand.u32 $0x1, s0  }
0x3: {  	s4 =	rddreg [dreg:$0x0];
	s1 =	stileid.u32;
	s3 =	sshll.u32 s5, $0x4  }
0x4: {  	s2 =	rddreg [dreg:$0x1];
	s6 =	sor.u32 s1, s3  }
0x5: {  	s8 =	simm.s32 $0x2710;
	s9 =	simm.s32 $0x0;
	s6 =	smul.u32 $0x4E2, s6  }
0x6: {  	s0 =	rddreg [dreg:$0x2];
	s5 =	ssub.s32 $0x2, s5;
	s3 =	simm.s32 $0x0  }
0x7: {  	s7 =	sshrl.u32 s5, $0x1;
	[smem:$0x7FF] =	sst s3;
	s6 =	sadd.s32 s6, s4  }
0x8: {  	s7 =	ssub.s32 s5, s7;
	_ =	strace $0x80000047;
	s4 =	sadd.s32 $0xC200, s6  }
0x9: {  	v0 =	vimm.f32 $1.000000000e+00;
	s5 =	sadd.s32 $0x16000, s6;
	s6 =	smax.u32 s7, $0x1;
	s7 =	simm.s32 $0x1  }
.LBB2_1:
0xa: {  	[tilespmem:s3], [sflag:$0x1] =	stream.linear.gather [hbm4b:s4+s3], $0x2710, $0x38;
	[tilespmem:$0x4E20] =	vst v63  }
0xb: {  	_ =	swait.ge [sflag:s7], $0x2710  }
0xc: {  	[sflag:s7] =	ssyncset.done $0x0  }
0xd: {  	[sflag:s7] =	ssyncadd.s32 $0xFFFFD8F0  }
0xe: {  	[tilespmem:s8], [sflag:$0x1] =	stream.linear.gather [hbm4b:s2+s3], $0x2710, $0x38;
	[tilespmem:$0x4E20] =	vst v63  }
0xf: {  	_ =	swait.ge [sflag:s7], $0x2710  }
0x10: {  	[sflag:s7] =	ssyncset.done $0x0  }
0x11: {  	s11 =	simm.s32 $0x0;
	s10 =	simm.s32 $0x40;
	[sflag:s7] =	ssyncadd.s32 $0xFFFFD8F0  }
.LBB2_2:
0x12: {  	p0 =	sne.s32 s10, $0x9C00;
	v1 =	vld [tilespmem:s11+$0x0];
	_ =	sdelay $0x3  }
.Ltmp0:
0x13: {  	(pc) =	sbr.rel @p0 .LBB2_2-.Ltmp0, $2  }
0x14: {  	_ =	sdelay $0x2  }
0x15: {  	s11 =	sshra.s32 s10, $0x2;
	s10 =	sadd.s32 $0x40, s10;
	[tilespmem:v1+s8+$0x0] =	vst.idx.add.f32.msk $0xffff, v0  }
0x16: {  	v1 =	vld [tilespmem:s11+$0x0];
	_ =	sdelay $0x5  }
0x17: {  	s9 =	sadd.s32 $0x1, s9  }
0x18: {  	p0 =	sne.s32 s9, s6  }
.Ltmp1:
0x19: {  	[tilespmem:v1+s8+$0x0] =	vst.idx.add.f32.msk $0xffff, v0;
	(pc) =	sbr.rel @p0 .LBB2_1-.Ltmp1, $4  }
0x1a: {  	[hbm4b:s5+s3] =	stream.linear.scatter [tilespmem:s8], [sflag:$0x1], $0x2710, $0x38;
	[tilespmem:$0x4E20] =	vst v63  }
0x1b: {  	_ =	swait.ge [sflag:s7], $0x2710  }
0x1c: {  	[sflag:s7] =	ssyncset.done $0x0  }
0x1d: {  	[sflag:s7] =	ssyncadd.s32 $0xFFFFD8F0  }
0x1e: {  	_ =	sfence.sel $0x180000  }
0x1f: {  	[bflag:$0x0] =	sbarrier.arrive $0xFFFF  }
0x20: {  	p0 =	sne.s32 s1, $0x0;
	_ =	strace $0x90000047  }
0x21: {  	s0 =	sadd.s32 @!p0 $0x100000, s0;
	[bflag:$0x2] =	sbarrier.arrive $0xFFFF  }
0x22: {  	[sflag:s0] =	ssyncadd.tile.s32 @!p0 $0x1;
	_ =	shalt  }
.Lfunc_end2:
_tile_overlayer_lowered:
.L_overlay_start_2:
0x23: {  	(tag) =	ssettag $0x2  }
0x24: {  	s0 =	rddreg [dreg:$0x0];
	s2 =	stileid.u32  }
0x25: {  	s1 =	rddreg [dreg:$0x1];
	p0 =	sne.s32 s2, $0x0  }
0x26: {  	s3 =	rddreg [dreg:$0x2];
	[bflag:$0x3] =	sbarrier.arrive $0xFFFF;
	s2 =	simm.s32 @!p0 $0x1C01  }
0x27: {  	[timem:s3], [sflag:s2] =	dma.local @!p0 [hbm:s0], s1  }
0x28: {  	s0 =	simm.s32 @!p0 $0x1  }
0x29: {  	_ =	swait.ge @!p0 [sflag:s0], s1  }
0x2a: {  	s1 =	ssub.s32 @!p0 $0x0, s1;
	[sflag:s0] =	ssyncset.done @!p0 $0x0  }
0x2b: {  	[sflag:s0] =	ssyncadd.s32 @!p0 s1  }
0x2c: {  	[bflag:$0x3] =	sbarrier.arrive $0xFFFF  }
0x2d: {  	_ =	shalt  }

// kernel: kernel.13.cloned.1.call-start
scs
__scs_entry_jumppad:
0x0: {  	(pc) =	sbr.rel $0x88, $3  }
0x1: {  	(tag) =	ssettag $0x0;
	lr =	simm.s32 $0x1  }
0x2: {  	[smem:$0x3F99] =	sst lr;
	_ =	strace $0xD0000000  }
0x3: {  	_ = 	snop  }
0x4: {  	_ = 	snop  }
0x5: {  	_ = 	snop  }
0x6: {  	_ = 	snop  }
0x7: {  	_ = 	snop  }
__scs_overlays_trampoline_lowered:
0x8: {  	[smem:$0x3FA8] =	sst s0  }
0x9: {  	[smem:$0x3FA9] =	sst s1  }
0xa: {  	[smem:$0x3FAA] =	sst s2  }
0xb: {  	[smem:$0x3FAB] =	sst s3  }
0xc: {  	[smem:$0x3FAC] =	sst s4  }
0xd: {  	[smem:$0x3FAD] =	sst s5  }
0xe: {  	[smem:$0x3FAE] =	sst s6  }
0xf: {  	[smem:$0x3FAF] =	sst s7  }
0x10: {  	[smem:$0x3FB0] =	sst s8  }
0x11: {  	[smem:$0x3FB1] =	sst s9;
	s0 =	simm.s32 @!p0 $0x0  }
0x12: {  	s1 =	sld [smem:$0x3F97];
	s0 =	simm.s32 @p0 $0x1  }
0x13: {  	[smem:$0x3FB2] =	sst s0;
	s0 =	simm.s32 @!p1 $0x0  }
0x14: {  	s2 =	sld [smem:$0x3F96];
	s0 =	simm.s32 @p1 $0x1  }
0x15: {  	[smem:$0x3FB3] =	sst s0;
	s0 =	simm.s32 @!p2 $0x0  }
0x16: {  	s3 =	sld [smem:$0x3FDB];
	s0 =	simm.s32 @p2 $0x1  }
0x17: {  	s4 =	simm.s32 $0x1BF5;
	[smem:$0x3FB5] =	sst s0  }
0x18: {  	s0 =	sld [smem:$0x3F98];
	_ =	swait.ge [sflag:s4], $0x0  }
0x19: {  	s7 =	sld [smem:$0x3F99]  }
0x1a: {  	s8 =	sadd.s32 $0xFFFFE003, lr  }
0x1b: {  	s9 =	sadd.s32 $0xFFFFFEF7, lr;
	s5 =	simm.s32 $0xFFFFFFFF;
	p2 =	slt.u32 s8, $0xFFFFF086  }
0x1c: {  	p1 =	slt.u32 s9, $0xF7A;
	s5 =	simm.s32 @!p2 $0x0  }
0x1d: {  	s5 =	simm.s32 @p1 $0x1;
	p0 =	seq.s32 s7, s2  }
0x1e: {  	s7 =	smul.u32 @!p0 $0xF7A, s2;
	p2 =	seq.s32 @!p0 s5, $0x0  }
0x1f: {  	s9 =	smul.u32 $0xF7A, s1;
	s8 =	simm.s32 @!p0 $0x1BF5;
	p2 =	por !p2, p0  }
0x20: {  	[sflag:s8] =	ssyncset.s32 @!p0 $0xFFFFF086;
	s6 =	sadd.s32 @!p0 s3, s7;
	s7 =	simm.s32 @!p0 $0x108  }
0x21: {  	s3 =	sadd.s32 s3, s9;
	s6 =	sadd.s32 @!p0 $0x88, s6;
	s7 =	simm.s32 @p2 $0x1082  }
0x22: {  	[simem:s7], [sflag:s8] =	dma.local @!p0 [hbm:s6], $0xF7A  }
0x23: {  	s9 =	sor.u32 $0xD0000000, s2;
	s6 =	simm.s32 $0x108;
	_ =	swait.ge @!p0 [sflag:s8], $0x0  }
0x24: {  	s3 =	sadd.s32 $0x88, s3;
	s6 =	simm.s32 @!p1 $0x1082;
	[sflag:s4] =	ssyncset.s32 $0xFFFFF086  }
0x25: {  	[simem:s6], [sflag:s4] =	dma.local [hbm:s3], $0xF7A  }
0x26: {  	[smem:$0x3F99] =	sst s1;
	(tag) =	ssettag s2;
	_ =	strace s9  }
0x27: {  	s1 =	sld [smem:$0x3FA9]  }
0x28: {  	s2 =	sld [smem:$0x3FAA]  }
0x29: {  	s4 =	sld [smem:$0x3FAC]  }
0x2a: {  	p0 =	seq.s32 s5, $0x0;
	s5 =	sld [smem:$0x3FAD]  }
0x2b: {  	s6 =	sld [smem:$0x3FAE]  }
0x2c: {  	s7 =	sld [smem:$0x3FAF]  }
0x2d: {  	s3 =	simm.s32 $0x108;
	s8 =	sld [smem:$0x3FB0]  }
0x2e: {  	s3 =	simm.s32 @!p0 $0x1082;
	s9 =	sld [smem:$0x3FB1]  }
0x2f: {  	lr =	sadd.s32 s0, s3;
	s0 =	sld [smem:$0x3FA8]  }
0x30: {  	s3 =	sld [smem:$0x3FAB]  }
0x31: {  	[smem:$0x3FB4] =	sst s10  }
0x32: {  	s10 =	sld [smem:$0x3FB2];
	_ =	sdelay $0x3  }
0x33: {  	p0 =	seq.s32 s10, $0x1;
	s10 =	sld [smem:$0x3FB4];
	_ =	sdelay $0x3  }
0x34: {  	[smem:$0x3FB4] =	sst s10  }
0x35: {  	s10 =	sld [smem:$0x3FB3];
	_ =	sdelay $0x3  }
0x36: {  	p1 =	seq.s32 s10, $0x1;
	s10 =	sld [smem:$0x3FB4];
	_ =	sdelay $0x3  }
0x37: {  	[smem:$0x3FB4] =	sst s10  }
0x38: {  	s10 =	sld [smem:$0x3FB5]  }
0x39: {  	_ = 	snop;
	(pc) =	sbr.ind lr, $3  }
0x3a: {  	_ = 	snop  }
0x3b: {  	_ = 	snop  }
0x3c: {  	p2 =	seq.s32 s10, $0x1;
	s10 =	sld [smem:$0x3FB4]  }
0x3d: {  	_ =	shalt  }
0x3e: {  	_ =	shalt  }
0x3f: {  	_ =	shalt  }
0x40: {  	_ =	shalt  }
0x41: {  	_ =	shalt  }
0x42: {  	_ =	shalt  }
0x43: {  	_ =	shalt  }
0x44: {  	_ =	shalt  }
0x45: {  	_ =	shalt  }
0x46: {  	_ =	shalt  }
0x47: {  	_ =	shalt  }
0x48: {  	_ =	shalt  }
0x49: {  	_ =	shalt  }
0x4a: {  	_ =	shalt  }
0x4b: {  	_ =	shalt  }
0x4c: {  	_ =	shalt  }
0x4d: {  	_ =	shalt  }
0x4e: {  	_ =	shalt  }
0x4f: {  	_ =	shalt  }
0x50: {  	_ =	shalt  }
0x51: {  	_ =	shalt  }
0x52: {  	_ =	shalt  }
0x53: {  	_ =	shalt  }
0x54: {  	_ =	shalt  }
0x55: {  	_ =	shalt  }
0x56: {  	_ =	shalt  }
0x57: {  	_ =	shalt  }
0x58: {  	_ =	shalt  }
0x59: {  	_ =	shalt  }
0x5a: {  	_ =	shalt  }
0x5b: {  	_ =	shalt  }
0x5c: {  	_ =	shalt  }
0x5d: {  	_ =	shalt  }
0x5e: {  	_ =	shalt  }
0x5f: {  	_ =	shalt  }
0x60: {  	_ =	shalt  }
0x61: {  	_ =	shalt  }
0x62: {  	_ =	shalt  }
0x63: {  	_ =	shalt  }
0x64: {  	_ =	shalt  }
0x65: {  	_ =	shalt  }
0x66: {  	_ =	shalt  }
0x67: {  	_ =	shalt  }
0x68: {  	_ =	shalt  }
0x69: {  	_ =	shalt  }
0x6a: {  	_ =	shalt  }
0x6b: {  	_ =	shalt  }
0x6c: {  	_ =	shalt  }
0x6d: {  	_ =	shalt  }
0x6e: {  	_ =	shalt  }
0x6f: {  	_ =	shalt  }
0x70: {  	_ =	shalt  }
0x71: {  	_ =	shalt  }
0x72: {  	_ =	shalt  }
0x73: {  	_ =	shalt  }
0x74: {  	_ =	shalt  }
0x75: {  	_ =	shalt  }
0x76: {  	_ =	shalt  }
0x77: {  	_ =	shalt  }
0x78: {  	_ =	shalt  }
0x79: {  	_ =	shalt  }
0x7a: {  	_ =	shalt  }
0x7b: {  	_ =	shalt  }
0x7c: {  	_ =	shalt  }
0x7d: {  	_ =	shalt  }
0x7e: {  	_ =	shalt  }
0x7f: {  	_ =	shalt  }
0x80: {  	_ =	shalt  }
0x81: {  	_ =	shalt  }
0x82: {  	_ =	shalt  }
0x83: {  	_ =	shalt  }
0x84: {  	_ =	shalt  }
0x85: {  	_ =	shalt  }
0x86: {  	_ =	shalt  }
0x87: {  	_ =	shalt  }
.Lfunc_end0:
.L_simem_size_0:
called_computation.1_lowered:
.L_overlay_start_0:
0x88: {  	s2 =	sld [smem:$0x3FD9]  }
0x89: {  	s3 =	sld [smem:$0x3FFE];
	_ =	sdelay $0x1  }
0x8a: {  	s1 =	srdreg.scid  }
0x8b: {  	s0 =	sand.u32 $0x1, s1  }
0x8c: {  	s16 =	sshll.u32 s0, $0xA;
	s2 =	sadd.s32 s3, s2  }
0x8d: {  	s2 =	sadd.s32 s2, s16  }
0x8e: {  	[smem:$0x3FC0] =	sst s2  }
0x8f: {  	_ = 	snop  }
0x90: {  	(tm) =	ssettm $0x1  }
0x91: {  	s17 =	sld [smem:$0x3FFB];
	_ =	sdelay $0x3  }
0x92: {  	_ =	strace s17  }
0x93: {  	s2 =	sld [smem:$0x3FFC];
	_ =	sdelay $0x3  }
0x94: {  	_ =	strace s2  }
0x95: {  	s2 =	sld [smem:$0x3FFD];
	_ =	sdelay $0x3  }
0x96: {  	_ =	strace s2  }
0x97: {  	_ =	strace $0x8FFFFFFF  }
0x98: {  	s18 =	sld [smem:$0x3FDB];
	_ =	sdelay $0x1  }
0x99: {  	s19 =	simm.s32 $_scs_section_size  }
0x9a: {  	s4 =	simm.s32 $_size__tile_overlayer_lowered;
	s5 =	simm.s32 $_tile_overlayer_lowered  }
0x9b: {  	s22 =	simm.s32 $0x1BFF;
	s21 =	sshll.u32 s5, $0x1;
	s2 =	sadd.s32 s19, s18  }
0x9c: {  	s6 =	simm.s32 $0x0;
	s20 =	sshll.u32 s4, $0x1;
	s4 =	sadd.s32 s21, s2  }
0x9d: {  	[timem:s6], [sflag:s22] =	dma.local [hbm:s4], s20  }
0x9e: {  	_ =	swait.ge [sflag:s22], s20  }
0x9f: {  	s3 =	ssub.s32 $0x0, s20;
	[sflag:s22] =	ssyncset.done $0x0  }
0xa0: {  	[sflag:s22] =	ssyncadd.s32 s3;
	_ =	sdelay $0x1  }
0xa1: {  	s23 =	simm.s32 $0x1B8B  }
0xa2: {  	_ =	swait.ge [sflag:s23], $0x1  }
0xa3: {  	[sflag:s23] =	ssyncset.done $0x0  }
0xa4: {  	s25 =	simm.s32 $0x1B8E;
	s24 =	sld [smem:$0x3FFE];
	[sflag:s23] =	ssyncadd.s32 $0xFFFFFFFF  }
0xa5: {  	s26 =	simm.s32 $execute0_lowered;
	[smem:$0x3FD2] =	sst s25  }
0xa6: {  	s4 =	sshll.u32 s26, $0x1;
	_ =	strace $0x80000049;
	[dreg:$0x1] =	wrdreg $0xFFFFFFFF  }
0xa7: {  	s28 =	simm.s32 $_size_execute0_lowered;
	s2 =	sadd.s32 s2, s4;
	[dreg:$0x0] =	wrdreg $0x0  }
0xa8: {  	s4 =	sshll.u32 s28, $0x1;
	[dreg:$0x2] =	wrdreg s2  }
0xa9: {  	[dreg:$0x3] =	wrdreg s4  }
0xaa: {  	[dreg:$0x4] =	wrdreg $0xC0  }
0xab: {  	_ =	task [dreg:s6], $0x5FFFF  }
0xac: {  	[dreg:$0x1] =	wrdreg $0xFFFFFFFF  }
0xad: {  	[dreg:$0x0] =	wrdreg $0x60  }
0xae: {  	[dreg:$0x2] =	wrdreg s24  }
0xaf: {  	[dreg:$0x3] =	wrdreg $0xC4400  }
0xb0: {  	[dreg:$0x4] =	wrdreg $0x160800  }
0xb1: {  	[dreg:$0x5] =	wrdreg $0x9  }
0xb2: {  	_ =	task.clear_ibuf [dreg:s6], $0x6FFFF;
	_ =	strace $0x90000049  }
0xb3: {  	s29 =	simm.s32 $0x9;
	_ =	strace $0x8000004B  }
0xb4: {  	_ =	swait.ge [sflag:s29], $0x1  }
0xb5: {  	[sflag:s29] =	ssyncadd.s32 $0xFFFFFFFF  }
0xb6: {  	_ =	strace $0x9000004B  }
0xb7: {  	_ =	sfence  }
0xb8: {  	s30 =	sld [smem:$0x0];
	_ =	sdelay $0x2  }
0xb9: {  	s31 =	sshll.u32 s1, $0xD;
	s1 =	sshrl.u32 s1, $0x2  }
0xba: {  	s3 =	sand.u32 $0x4000, s31;
	s1 =	sadd.s32 s1, s30  }
0xbb: {  	s0 =	sor.u32 s3, s0;
	s1 =	sshll.u32 s1, $0x11  }
0xbc: {  	s0 =	sor.u32 s1, s0  }
0xbd: {  	s0 =	sadd.s32 $0x8F2B, s0  }
0xbe: {  	[sflag:s0] =	ssyncadd.remote.s32 $0x1  }
0xbf: {  	_ =	sfence.sel $0xFFFF  }
0xc0: {  	[dreg:$0x0] =	wrdreg $0xFFFFFFFF;
	(pc) =	sbr.abs _section_cstart, $3  }
0xc1: {  	[dreg:$0x1] =	wrdreg $0xFFFFFFFF  }
0xc2: {  	_ =	task.clear_ibuf [dreg:s6], $0x2FFFF;
	_ =	strace $0x9FFFFFFF  }
0xc3: {  	(tm) =	ssettm $0x7FFFFFFF  }
tec
execute0_lowered:
.L_overlay_start_1:
0x0: {  	(tag) =	ssettag $0x1  }
0x1: {  	s6 =	rddreg [dreg:$0x0]  }
0x2: {  	s2 =	rddreg [dreg:$0x1]  }
0x3: {  	s3 =	rddreg [dreg:$0x2]  }
0x4: {  	s0 =	rddreg [dreg:$0x3]  }
0x5: {  	s4 =	simm.s32 $0x0;
	s1 =	stileid.u32;
	s5 =	srdreg.scid  }
0x6: {  	s15 =	simm.s32 $0x50;
	s16 =	simm.s32 $0x9C40;
	s17 =	simm.s32 $0xB040  }
0x7: {  	s18 =	simm.s32 $0x1;
	s19 =	simm.s32 $0x2;
	s20 =	simm.s32 $0x9BA0  }
0x8: {  	s21 =	simm.s32 $0x9BF0;
	[smem:$0x7FF] =	sst s4;
	s7 =	smul.u32 $0x9C4, s1  }
0x9: {  	s5 =	sand.u32 $0x1, s5;
	s11 =	smul.u32 $0x9C40, s1;
	s31 =	sshll.u32 s1, $0x6  }
0xa: {  	_ =	strace $0x8000004A;
	s8 =	smul.u32 $0x13880, s5;
	s9 =	ssub.s32 $0x2, s5  }
0xb: {  	s5 =	sadd.s32 $0xB2600, s6;
	s7 =	sadd.s32 s7, s6;
	s10 =	sshrl.u32 s9, $0x1  }
0xc: {  	s13 =	sadd.s32 s11, s2;
	s22 =	sshrl.u32 s11, $0x3;
	s14 =	sadd.s32 s11, s3  }
0xd: {  	s8 =	sadd.s32 s8, s6;
	s9 =	ssub.s32 s9, s10;
	s6 =	sadd.s32 $0x2400, s7  }
0xe: {  	s7 =	sadd.s32 $0xC200, s7;
	s10 =	simm.s32 $0x4E20;
	s13 =	sshrl.u32 s13, $0x3  }
0xf: {  	s14 =	sshrl.u32 s14, $0x3;
	s12 =	sadd.s32 $0x8B400, s8;
	s23 =	sadd.s32 $0xB3A00, s8  }
0x10: {  	s8 =	smax.u32 s9, $0x1;
	s9 =	simm.s32 $0x3;
	s11 =	sadd.s32 s22, s12  }
0x11: {  	s12 =	sor.u32 $0x1C03, s31;
	s22 =	sadd.s32 s22, s23;
	s23 =	simm.s32 $0x0  }
.LBB2_1:
0x12: {  	[tilespmem:s4], [sflag:$0x3] =	stream.linear.gather [hbm4b:s6+s4], $0x4E20, $0x38;
	[tilespmem:$0x1FCC0] =	vst v63  }
0x13: {  	_ =	swait.ge [sflag:s9], $0x4E20  }
0x14: {  	[sflag:s9] =	ssyncset.done $0x0  }
0x15: {  	[sflag:s9] =	ssyncadd.s32 $0xFFFFB1E0  }
0x16: {  	[tilespmem:s10], [sflag:$0x3] =	stream.linear.gather [hbm4b:s7+s4], $0x4E20, $0x38;
	[tilespmem:$0x1FCC0] =	vst v63  }
0x17: {  	_ =	swait.ge [sflag:s9], $0x4E20  }
0x18: {  	[sflag:s9] =	ssyncset.done $0x0  }
0x19: {  	[sflag:s9] =	ssyncadd.s32 $0xFFFFB1E0  }
0x1a: {  	[spmem:s13], [sflag:s12] =	dma.local [hbm:s11], $0x1388  }
0x1b: {  	_ =	swait.ge [sflag:s9], $0x1388  }
0x1c: {  	[sflag:s9] =	ssyncset.done $0x0  }
0x1d: {  	[sflag:s9] =	ssyncadd.s32 $0xFFFFEC78  }
0x1e: {  	[spmem:s14], [sflag:s12] =	dma.local [hbm:s5], $0x1388  }
0x1f: {  	_ =	swait.ge [sflag:s9], $0x1388  }
0x20: {  	[sflag:s9] =	ssyncset.done $0x0  }
0x21: {  	[sflag:s9] =	ssyncadd.s32 $0xFFFFEC78  }
0x22: {  	[bflag:$0x0] =	sbarrier.arrive $0xFFFF  }
0x23: {  	[tilespmem:s16], [sflag:$0x1] =	stream.indirect.gather [spmem:s2], $0x40, s4, s15, $0xb8;
	[tilespmem:$0x1FCC0] =	vst v63  }
0x24: {  	_ = 	snop  }
0x25: {  	[tilespmem:s17], [sflag:$0x2] =	stream.indirect.gather [spmem:s2], $0x40, s15, s15, $0xb8;
	[tilespmem:$0x1FCC0] =	vst v63  }
0x26: {  	_ =	swait.ge [sflag:s18], $0x1400  }
0x27: {  	[sflag:s18] =	ssyncset.done $0x0  }
0x28: {  	s24 =	simm.s32 $0x4E20;
	[sflag:s18] =	ssyncadd.s32 $0xFFFFEC00  }
0x29: {  	[spmem:s3] =	stream.indirect.scatter.add.f32 [tilespmem:s16], [sflag:$0x3], $0x40, s24, s15, $0xb8;
	[tilespmem:$0x1FCC0] =	vst v63  }
0x2a: {  	_ =	swait.ge [sflag:s9], $0x1400  }
0x2b: {  	[sflag:s9] =	ssyncset.done $0x0  }
0x2c: {  	s30 =	simm.s32 $0xA0;
	[sflag:s9] =	ssyncadd.s32 $0xFFFFEC00  }
0x2d: {  	[tilespmem:s16], [sflag:$0x1] =	stream.indirect.gather [spmem:s2], $0x40, s30, s15, $0xb8;
	[tilespmem:$0x1FCC0] =	vst v63  }
0x2e: {  	_ =	swait.ge [sflag:s19], $0x1400  }
0x2f: {  	[sflag:s19] =	ssyncset.done $0x0  }
0x30: {  	s31 =	simm.s32 $0x4E70;
	[sflag:s19] =	ssyncadd.s32 $0xFFFFEC00  }
0x31: {  	[spmem:s3] =	stream.indirect.scatter.add.f32 [tilespmem:s17], [sflag:$0x3], $0x40, s31, s15, $0xb8;
	[tilespmem:$0x1FCC0] =	vst v63  }
0x32: {  	_ =	swait.ge [sflag:s9], $0x1400  }
0x33: {  	[sflag:s9] =	ssyncset.done $0x0  }
0x34: {  	s25 =	simm.s32 $0xF0;
	s24 =	simm.s32 $0x280;
	[sflag:s9] =	ssyncadd.s32 $0xFFFFEC00  }
.LBB2_2:
0x35: {  	[tilespmem:s17], [sflag:$0x2] =	stream.indirect.gather [spmem:s2], $0x40, s25, s15, $0xb8;
	[tilespmem:$0x1FCC0] =	vst v63  }
0x36: {  	s25 =	smov.u32 s24  }
0x37: {  	p0 =	sne.s32 s24, $0x13380;
	s24 =	sadd.s32 $0x280, s24;
	_ =	swait.ge [sflag:s18], $0x1400  }
0x38: {  	s25 =	sshra.s32 s25, $0x2;
	[sflag:s18] =	ssyncset.done $0x0  }
0x39: {  	s26 =	sadd.s32 $0x4E20, s25;
	[sflag:s18] =	ssyncadd.s32 $0xFFFFEC00  }
0x3a: {  	[spmem:s3] =	stream.indirect.scatter.add.f32 [tilespmem:s16], [sflag:$0x3], $0x40, s26, s15, $0xb8;
	[tilespmem:$0x1FCC0] =	vst v63  }
0x3b: {  	_ =	swait.ge [sflag:s9], $0x1400  }
0x3c: {  	[sflag:s9] =	ssyncset.done $0x0  }
0x3d: {  	s26 =	sadd.s32 $0xA0, s25;
	[sflag:s9] =	ssyncadd.s32 $0xFFFFEC00  }
0x3e: {  	[tilespmem:s16], [sflag:$0x1] =	stream.indirect.gather [spmem:s2], $0x40, s26, s15, $0xb8;
	[tilespmem:$0x1FCC0] =	vst v63  }
0x3f: {  	_ =	swait.ge [sflag:s19], $0x1400  }
0x40: {  	[sflag:s19] =	ssyncset.done $0x0  }
.Ltmp0:
0x41: {  	s26 =	sadd.s32 $0x4E70, s25;
	[sflag:s19] =	ssyncadd.s32 $0xFFFFEC00;
	(pc) =	sbr.rel @p0 .LBB2_2-.Ltmp0, $4  }
0x42: {  	[spmem:s3] =	stream.indirect.scatter.add.f32 [tilespmem:s17], [sflag:$0x3], $0x40, s26, s15, $0xb8;
	[tilespmem:$0x1FCC0] =	vst v63  }
0x43: {  	_ =	swait.ge [sflag:s9], $0x1400  }
0x44: {  	[sflag:s9] =	ssyncset.done $0x0  }
0x45: {  	s25 =	sadd.s32 $0xF0, s25;
	[sflag:s9] =	ssyncadd.s32 $0xFFFFEC00  }
0x46: {  	[tilespmem:s17], [sflag:$0x2] =	stream.indirect.gather [spmem:s2], $0x40, s25, s15, $0xb8;
	[tilespmem:$0x1FCC0] =	vst v63  }
0x47: {  	_ =	swait.ge [sflag:s18], $0x1400  }
0x48: {  	[sflag:s18] =	ssyncset.done $0x0  }
0x49: {  	[sflag:s18] =	ssyncadd.s32 $0xFFFFEC00  }
0x4a: {  	[spmem:s3] =	stream.indirect.scatter.add.f32 [tilespmem:s16], [sflag:$0x3], $0x40, s20, s15, $0xb8;
	[tilespmem:$0x1FCC0] =	vst v63  }
0x4b: {  	_ =	swait.ge [sflag:s9], $0x1400  }
0x4c: {  	[sflag:s9] =	ssyncset.done $0x0  }
0x4d: {  	[sflag:s9] =	ssyncadd.s32 $0xFFFFEC00  }
0x4e: {  	_ =	swait.ge [sflag:s19], $0x1400  }
0x4f: {  	[sflag:s19] =	ssyncset.done $0x0  }
0x50: {  	[sflag:s19] =	ssyncadd.s32 $0xFFFFEC00  }
0x51: {  	[spmem:s3] =	stream.indirect.scatter.add.f32 [tilespmem:s17], [sflag:$0x3], $0x40, s21, s15, $0xb8;
	[tilespmem:$0x1FCC0] =	vst v63  }
0x52: {  	_ =	swait.ge [sflag:s9], $0x1400  }
0x53: {  	s23 =	sadd.s32 $0x1, s23;
	[sflag:s9] =	ssyncset.done $0x0  }
0x54: {  	p0 =	sne.s32 s23, s8;
	[sflag:s9] =	ssyncadd.s32 $0xFFFFEC00  }
.Ltmp1:
0x55: {  	[bflag:$0x0] =	sbarrier.arrive $0xFFFF;
	(pc) =	sbr.rel @p0 .LBB2_1-.Ltmp1, $4  }
0x56: {  	[hbm:s22], [sflag:s12] =	dma.local [spmem:s14], $0x1388  }
0x57: {  	_ =	swait.ge [sflag:s9], $0x1388  }
0x58: {  	[sflag:s9] =	ssyncset.done $0x0  }
0x59: {  	[sflag:s9] =	ssyncadd.s32 $0xFFFFEC78  }
0x5a: {  	_ =	sfence.sel $0x180000  }
0x5b: {  	[bflag:$0x0] =	sbarrier.arrive $0xFFFF  }
0x5c: {  	p0 =	sne.s32 s1, $0x0;
	_ =	strace $0x9000004A  }
0x5d: {  	s0 =	sadd.s32 @!p0 $0x100000, s0;
	[bflag:$0x2] =	sbarrier.arrive $0xFFFF  }
0x5e: {  	[sflag:s0] =	ssyncadd.tile.s32 @!p0 $0x1;
	_ =	shalt  }
.Lfunc_end2:
_tile_overlayer_lowered:
.L_overlay_start_2:
0x5f: {  	(tag) =	ssettag $0x2  }
0x60: {  	s0 =	rddreg [dreg:$0x0];
	s2 =	stileid.u32  }
0x61: {  	s1 =	rddreg [dreg:$0x1];
	p0 =	sne.s32 s2, $0x0  }
0x62: {  	s3 =	rddreg [dreg:$0x2];
	[bflag:$0x3] =	sbarrier.arrive $0xFFFF;
	s2 =	simm.s32 @!p0 $0x1C03  }
0x63: {  	[timem:s3], [sflag:s2] =	dma.local @!p0 [hbm:s0], s1  }
0x64: {  	s0 =	simm.s32 @!p0 $0x3  }
0x65: {  	_ =	swait.ge @!p0 [sflag:s0], s1  }
0x66: {  	s1 =	ssub.s32 @!p0 $0x0, s1;
	[sflag:s0] =	ssyncset.done @!p0 $0x0  }
0x67: {  	[sflag:s0] =	ssyncadd.s32 @!p0 s1  }
0x68: {  	[bflag:$0x3] =	sbarrier.arrive $0xFFFF  }
0x69: {  	_ =	shalt  }

// kernel: kernel.16.cloned.1.call-start
scs
__scs_entry_jumppad:
0x0: {  	(pc) =	sbr.rel $0x88, $3  }
0x1: {  	(tag) =	ssettag $0x0;
	lr =	simm.s32 $0x1  }
0x2: {  	[smem:$0x3F99] =	sst lr;
	_ =	strace $0xD0000000  }
0x3: {  	_ = 	snop  }
0x4: {  	_ = 	snop  }
0x5: {  	_ = 	snop  }
0x6: {  	_ = 	snop  }
0x7: {  	_ = 	snop  }
__scs_overlays_trampoline_lowered:
0x8: {  	[smem:$0x3FA8] =	sst s0  }
0x9: {  	[smem:$0x3FA9] =	sst s1  }
0xa: {  	[smem:$0x3FAA] =	sst s2  }
0xb: {  	[smem:$0x3FAB] =	sst s3  }
0xc: {  	[smem:$0x3FAC] =	sst s4  }
0xd: {  	[smem:$0x3FAD] =	sst s5  }
0xe: {  	[smem:$0x3FAE] =	sst s6  }
0xf: {  	[smem:$0x3FAF] =	sst s7  }
0x10: {  	[smem:$0x3FB0] =	sst s8  }
0x11: {  	[smem:$0x3FB1] =	sst s9;
	s0 =	simm.s32 @!p0 $0x0  }
0x12: {  	s1 =	sld [smem:$0x3F97];
	s0 =	simm.s32 @p0 $0x1  }
0x13: {  	[smem:$0x3FB2] =	sst s0;
	s0 =	simm.s32 @!p1 $0x0  }
0x14: {  	s2 =	sld [smem:$0x3F96];
	s0 =	simm.s32 @p1 $0x1  }
0x15: {  	[smem:$0x3FB3] =	sst s0;
	s0 =	simm.s32 @!p2 $0x0  }
0x16: {  	s3 =	sld [smem:$0x3FDB];
	s0 =	simm.s32 @p2 $0x1  }
0x17: {  	s4 =	simm.s32 $0x1BF5;
	[smem:$0x3FB5] =	sst s0  }
0x18: {  	s0 =	sld [smem:$0x3F98];
	_ =	swait.ge [sflag:s4], $0x0  }
0x19: {  	s7 =	sld [smem:$0x3F99]  }
0x1a: {  	s8 =	sadd.s32 $0xFFFFE003, lr  }
0x1b: {  	s9 =	sadd.s32 $0xFFFFFEF7, lr;
	s5 =	simm.s32 $0xFFFFFFFF;
	p2 =	slt.u32 s8, $0xFFFFF086  }
0x1c: {  	p1 =	slt.u32 s9, $0xF7A;
	s5 =	simm.s32 @!p2 $0x0  }
0x1d: {  	s5 =	simm.s32 @p1 $0x1;
	p0 =	seq.s32 s7, s2  }
0x1e: {  	s7 =	smul.u32 @!p0 $0xF7A, s2;
	p2 =	seq.s32 @!p0 s5, $0x0  }
0x1f: {  	s9 =	smul.u32 $0xF7A, s1;
	s8 =	simm.s32 @!p0 $0x1BF5;
	p2 =	por !p2, p0  }
0x20: {  	[sflag:s8] =	ssyncset.s32 @!p0 $0xFFFFF086;
	s6 =	sadd.s32 @!p0 s3, s7;
	s7 =	simm.s32 @!p0 $0x108  }
0x21: {  	s3 =	sadd.s32 s3, s9;
	s6 =	sadd.s32 @!p0 $0x88, s6;
	s7 =	simm.s32 @p2 $0x1082  }
0x22: {  	[simem:s7], [sflag:s8] =	dma.local @!p0 [hbm:s6], $0xF7A  }
0x23: {  	s9 =	sor.u32 $0xD0000000, s2;
	s6 =	simm.s32 $0x108;
	_ =	swait.ge @!p0 [sflag:s8], $0x0  }
0x24: {  	s3 =	sadd.s32 $0x88, s3;
	s6 =	simm.s32 @!p1 $0x1082;
	[sflag:s4] =	ssyncset.s32 $0xFFFFF086  }
0x25: {  	[simem:s6], [sflag:s4] =	dma.local [hbm:s3], $0xF7A  }
0x26: {  	[smem:$0x3F99] =	sst s1;
	(tag) =	ssettag s2;
	_ =	strace s9  }
0x27: {  	s1 =	sld [smem:$0x3FA9]  }
0x28: {  	s2 =	sld [smem:$0x3FAA]  }
0x29: {  	s4 =	sld [smem:$0x3FAC]  }
0x2a: {  	p0 =	seq.s32 s5, $0x0;
	s5 =	sld [smem:$0x3FAD]  }
0x2b: {  	s6 =	sld [smem:$0x3FAE]  }
0x2c: {  	s7 =	sld [smem:$0x3FAF]  }
0x2d: {  	s3 =	simm.s32 $0x108;
	s8 =	sld [smem:$0x3FB0]  }
0x2e: {  	s3 =	simm.s32 @!p0 $0x1082;
	s9 =	sld [smem:$0x3FB1]  }
0x2f: {  	lr =	sadd.s32 s0, s3;
	s0 =	sld [smem:$0x3FA8]  }
0x30: {  	s3 =	sld [smem:$0x3FAB]  }
0x31: {  	[smem:$0x3FB4] =	sst s10  }
0x32: {  	s10 =	sld [smem:$0x3FB2];
	_ =	sdelay $0x3  }
0x33: {  	p0 =	seq.s32 s10, $0x1;
	s10 =	sld [smem:$0x3FB4];
	_ =	sdelay $0x3  }
0x34: {  	[smem:$0x3FB4] =	sst s10  }
0x35: {  	s10 =	sld [smem:$0x3FB3];
	_ =	sdelay $0x3  }
0x36: {  	p1 =	seq.s32 s10, $0x1;
	s10 =	sld [smem:$0x3FB4];
	_ =	sdelay $0x3  }
0x37: {  	[smem:$0x3FB4] =	sst s10  }
0x38: {  	s10 =	sld [smem:$0x3FB5]  }
0x39: {  	_ = 	snop;
	(pc) =	sbr.ind lr, $3  }
0x3a: {  	_ = 	snop  }
0x3b: {  	_ = 	snop  }
0x3c: {  	p2 =	seq.s32 s10, $0x1;
	s10 =	sld [smem:$0x3FB4]  }
0x3d: {  	_ =	shalt  }
0x3e: {  	_ =	shalt  }
0x3f: {  	_ =	shalt  }
0x40: {  	_ =	shalt  }
0x41: {  	_ =	shalt  }
0x42: {  	_ =	shalt  }
0x43: {  	_ =	shalt  }
0x44: {  	_ =	shalt  }
0x45: {  	_ =	shalt  }
0x46: {  	_ =	shalt  }
0x47: {  	_ =	shalt  }
0x48: {  	_ =	shalt  }
0x49: {  	_ =	shalt  }
0x4a: {  	_ =	shalt  }
0x4b: {  	_ =	shalt  }
0x4c: {  	_ =	shalt  }
0x4d: {  	_ =	shalt  }
0x4e: {  	_ =	shalt  }
0x4f: {  	_ =	shalt  }
0x50: {  	_ =	shalt  }
0x51: {  	_ =	shalt  }
0x52: {  	_ =	shalt  }
0x53: {  	_ =	shalt  }
0x54: {  	_ =	shalt  }
0x55: {  	_ =	shalt  }
0x56: {  	_ =	shalt  }
0x57: {  	_ =	shalt  }
0x58: {  	_ =	shalt  }
0x59: {  	_ =	shalt  }
0x5a: {  	_ =	shalt  }
0x5b: {  	_ =	shalt  }
0x5c: {  	_ =	shalt  }
0x5d: {  	_ =	shalt  }
0x5e: {  	_ =	shalt  }
0x5f: {  	_ =	shalt  }
0x60: {  	_ =	shalt  }
0x61: {  	_ =	shalt  }
0x62: {  	_ =	shalt  }
0x63: {  	_ =	shalt  }
0x64: {  	_ =	shalt  }
0x65: {  	_ =	shalt  }
0x66: {  	_ =	shalt  }
0x67: {  	_ =	shalt  }
0x68: {  	_ =	shalt  }
0x69: {  	_ =	shalt  }
0x6a: {  	_ =	shalt  }
0x6b: {  	_ =	shalt  }
0x6c: {  	_ =	shalt  }
0x6d: {  	_ =	shalt  }
0x6e: {  	_ =	shalt  }
0x6f: {  	_ =	shalt  }
0x70: {  	_ =	shalt  }
0x71: {  	_ =	shalt  }
0x72: {  	_ =	shalt  }
0x73: {  	_ =	shalt  }
0x74: {  	_ =	shalt  }
0x75: {  	_ =	shalt  }
0x76: {  	_ =	shalt  }
0x77: {  	_ =	shalt  }
0x78: {  	_ =	shalt  }
0x79: {  	_ =	shalt  }
0x7a: {  	_ =	shalt  }
0x7b: {  	_ =	shalt  }
0x7c: {  	_ =	shalt  }
0x7d: {  	_ =	shalt  }
0x7e: {  	_ =	shalt  }
0x7f: {  	_ =	shalt  }
0x80: {  	_ =	shalt  }
0x81: {  	_ =	shalt  }
0x82: {  	_ =	shalt  }
0x83: {  	_ =	shalt  }
0x84: {  	_ =	shalt  }
0x85: {  	_ =	shalt  }
0x86: {  	_ =	shalt  }
0x87: {  	_ =	shalt  }
.Lfunc_end0:
.L_simem_size_0:
called_computation.2_lowered:
.L_overlay_start_0:
0x88: {  	s2 =	sld [smem:$0x3FD9]  }
0x89: {  	s3 =	sld [smem:$0x3FFE];
	_ =	sdelay $0x1  }
0x8a: {  	s1 =	srdreg.scid  }
0x8b: {  	s0 =	sand.u32 $0x1, s1  }
0x8c: {  	s16 =	sshll.u32 s0, $0xA;
	s2 =	sadd.s32 s3, s2  }
0x8d: {  	s2 =	sadd.s32 s2, s16  }
0x8e: {  	[smem:$0x3FC0] =	sst s2  }
0x8f: {  	_ = 	snop  }
0x90: {  	(tm) =	ssettm $0x1  }
0x91: {  	s17 =	sld [smem:$0x3FFB];
	_ =	sdelay $0x3  }
0x92: {  	_ =	strace s17  }
0x93: {  	s2 =	sld [smem:$0x3FFC];
	_ =	sdelay $0x3  }
0x94: {  	_ =	strace s2  }
0x95: {  	s2 =	sld [smem:$0x3FFD];
	_ =	sdelay $0x3  }
0x96: {  	_ =	strace s2  }
0x97: {  	_ =	strace $0x8FFFFFFF  }
0x98: {  	s18 =	sld [smem:$0x3FDB];
	_ =	sdelay $0x1  }
0x99: {  	s19 =	simm.s32 $_scs_section_size  }
0x9a: {  	s4 =	simm.s32 $_size__tile_overlayer_lowered;
	s5 =	simm.s32 $_tile_overlayer_lowered  }
0x9b: {  	s22 =	simm.s32 $0x1BFF;
	s21 =	sshll.u32 s5, $0x1;
	s2 =	sadd.s32 s19, s18  }
0x9c: {  	s6 =	simm.s32 $0x0;
	s20 =	sshll.u32 s4, $0x1;
	s4 =	sadd.s32 s21, s2  }
0x9d: {  	[timem:s6], [sflag:s22] =	dma.local [hbm:s4], s20  }
0x9e: {  	_ =	swait.ge [sflag:s22], s20  }
0x9f: {  	s3 =	ssub.s32 $0x0, s20;
	[sflag:s22] =	ssyncset.done $0x0  }
0xa0: {  	[sflag:s22] =	ssyncadd.s32 s3;
	_ =	sdelay $0x1  }
0xa1: {  	s23 =	simm.s32 $0x1B8B  }
0xa2: {  	_ =	swait.ge [sflag:s23], $0x1  }
0xa3: {  	[sflag:s23] =	ssyncset.done $0x0  }
0xa4: {  	s25 =	simm.s32 $0x1B8E;
	s24 =	sld [smem:$0x3FFE];
	[sflag:s23] =	ssyncadd.s32 $0xFFFFFFFF  }
0xa5: {  	s26 =	simm.s32 $execute0_lowered;
	[smem:$0x3FD2] =	sst s25  }
0xa6: {  	s4 =	sshll.u32 s26, $0x1;
	_ =	strace $0x8000004C;
	[dreg:$0x1] =	wrdreg $0xFFFFFFFF  }
0xa7: {  	s28 =	simm.s32 $_size_execute0_lowered;
	s2 =	sadd.s32 s2, s4;
	[dreg:$0x0] =	wrdreg $0x0  }
0xa8: {  	s4 =	sshll.u32 s28, $0x1;
	[dreg:$0x2] =	wrdreg s2  }
0xa9: {  	[dreg:$0x3] =	wrdreg s4  }
0xaa: {  	[dreg:$0x4] =	wrdreg $0xC0  }
0xab: {  	_ =	task [dreg:s6], $0x5FFFF  }
0xac: {  	[dreg:$0x1] =	wrdreg $0xFFFFFFFF  }
0xad: {  	[dreg:$0x0] =	wrdreg $0x60  }
0xae: {  	[dreg:$0x2] =	wrdreg s24  }
0xaf: {  	[dreg:$0x3] =	wrdreg $0xC4400  }
0xb0: {  	[dreg:$0x4] =	wrdreg $0x160800  }
0xb1: {  	[dreg:$0x5] =	wrdreg $0x9  }
0xb2: {  	_ =	task.clear_ibuf [dreg:s6], $0x6FFFF;
	_ =	strace $0x9000004C  }
0xb3: {  	s29 =	simm.s32 $0x9;
	_ =	strace $0x8000004E  }
0xb4: {  	_ =	swait.ge [sflag:s29], $0x1  }
0xb5: {  	[sflag:s29] =	ssyncadd.s32 $0xFFFFFFFF  }
0xb6: {  	_ =	strace $0x9000004E  }
0xb7: {  	_ =	sfence  }
0xb8: {  	s30 =	sld [smem:$0x0];
	_ =	sdelay $0x2  }
0xb9: {  	s31 =	sshll.u32 s1, $0xD;
	s1 =	sshrl.u32 s1, $0x2  }
0xba: {  	s3 =	sand.u32 $0x4000, s31;
	s1 =	sadd.s32 s1, s30  }
0xbb: {  	s0 =	sor.u32 s3, s0;
	s1 =	sshll.u32 s1, $0x11  }
0xbc: {  	s0 =	sor.u32 s1, s0  }
0xbd: {  	s0 =	sadd.s32 $0x8F2B, s0  }
0xbe: {  	[sflag:s0] =	ssyncadd.remote.s32 $0x1  }
0xbf: {  	_ =	sfence.sel $0xFFFF  }
0xc0: {  	[dreg:$0x0] =	wrdreg $0xFFFFFFFF;
	(pc) =	sbr.abs _section_cstart, $3  }
0xc1: {  	[dreg:$0x1] =	wrdreg $0xFFFFFFFF  }
0xc2: {  	_ =	task.clear_ibuf [dreg:s6], $0x2FFFF;
	_ =	strace $0x9FFFFFFF  }
0xc3: {  	(tm) =	ssettm $0x7FFFFFFF  }
tec
execute0_lowered:
.L_overlay_start_1:
0x0: {  	(tag) =	ssettag $0x1  }
0x1: {  	s6 =	rddreg [dreg:$0x0]  }
0x2: {  	s2 =	rddreg [dreg:$0x1]  }
0x3: {  	s3 =	rddreg [dreg:$0x2]  }
0x4: {  	s0 =	rddreg [dreg:$0x3]  }
0x5: {  	s4 =	simm.s32 $0x0;
	s1 =	stileid.u32;
	s5 =	srdreg.scid  }
0x6: {  	s15 =	simm.s32 $0x50;
	s16 =	simm.s32 $0x9C40;
	s17 =	simm.s32 $0xB040  }
0x7: {  	s18 =	simm.s32 $0x1;
	s19 =	simm.s32 $0x2;
	s20 =	simm.s32 $0x9BA0  }
0x8: {  	s21 =	simm.s32 $0x9BF0;
	[smem:$0x7FF] =	sst s4;
	s7 =	smul.u32 $0x9C4, s1  }
0x9: {  	s5 =	sand.u32 $0x1, s5;
	s11 =	smul.u32 $0x9C40, s1;
	s31 =	sshll.u32 s1, $0x6  }
0xa: {  	_ =	strace $0x8000004D;
	s8 =	smul.u32 $0x13880, s5;
	s9 =	ssub.s32 $0x2, s5  }
0xb: {  	s5 =	sadd.s32 $0xB2600, s6;
	s7 =	sadd.s32 s7, s6;
	s10 =	sshrl.u32 s9, $0x1  }
0xc: {  	s13 =	sadd.s32 s11, s2;
	s22 =	sshrl.u32 s11, $0x3;
	s14 =	sadd.s32 s11, s3  }
0xd: {  	s8 =	sadd.s32 s8, s6;
	s9 =	ssub.s32 s9, s10;
	s6 =	sadd.s32 $0x2400, s7  }
0xe: {  	s7 =	sadd.s32 $0xC200, s7;
	s10 =	simm.s32 $0x4E20;
	s13 =	sshrl.u32 s13, $0x3  }
0xf: {  	s14 =	sshrl.u32 s14, $0x3;
	s12 =	sadd.s32 $0x8B400, s8;
	s23 =	sadd.s32 $0xB3A00, s8  }
0x10: {  	s8 =	smax.u32 s9, $0x1;
	s9 =	simm.s32 $0x3;
	s11 =	sadd.s32 s22, s12  }
0x11: {  	s12 =	sor.u32 $0x1C03, s31;
	s22 =	sadd.s32 s22, s23;
	s23 =	simm.s32 $0x0  }
.LBB2_1:
0x12: {  	[tilespmem:s4], [sflag:$0x3] =	stream.linear.gather [hbm4b:s6+s4], $0x4E20, $0x38;
	[tilespmem:$0x1FCC0] =	vst v63  }
0x13: {  	_ =	swait.ge [sflag:s9], $0x4E20  }
0x14: {  	[sflag:s9] =	ssyncset.done $0x0  }
0x15: {  	[sflag:s9] =	ssyncadd.s32 $0xFFFFB1E0  }
0x16: {  	[tilespmem:s10], [sflag:$0x3] =	stream.linear.gather [hbm4b:s7+s4], $0x4E20, $0x38;
	[tilespmem:$0x1FCC0] =	vst v63  }
0x17: {  	_ =	swait.ge [sflag:s9], $0x4E20  }
0x18: {  	[sflag:s9] =	ssyncset.done $0x0  }
0x19: {  	[sflag:s9] =	ssyncadd.s32 $0xFFFFB1E0  }
0x1a: {  	[spmem:s13], [sflag:s12] =	dma.local [hbm:s11], $0x1388  }
0x1b: {  	_ =	swait.ge [sflag:s9], $0x1388  }
0x1c: {  	[sflag:s9] =	ssyncset.done $0x0  }
0x1d: {  	[sflag:s9] =	ssyncadd.s32 $0xFFFFEC78  }
0x1e: {  	[spmem:s14], [sflag:s12] =	dma.local [hbm:s5], $0x1388  }
0x1f: {  	_ =	swait.ge [sflag:s9], $0x1388  }
0x20: {  	[sflag:s9] =	ssyncset.done $0x0  }
0x21: {  	[sflag:s9] =	ssyncadd.s32 $0xFFFFEC78  }
0x22: {  	[bflag:$0x0] =	sbarrier.arrive $0xFFFF  }
0x23: {  	[tilespmem:s16], [sflag:$0x1] =	stream.indirect.gather [spmem:s2], $0x40, s4, s15, $0xb8;
	[tilespmem:$0x1FCC0] =	vst v63  }
0x24: {  	_ = 	snop  }
0x25: {  	[tilespmem:s17], [sflag:$0x2] =	stream.indirect.gather [spmem:s2], $0x40, s15, s15, $0xb8;
	[tilespmem:$0x1FCC0] =	vst v63  }
0x26: {  	_ =	swait.ge [sflag:s18], $0x1400  }
0x27: {  	[sflag:s18] =	ssyncset.done $0x0  }
0x28: {  	s24 =	simm.s32 $0x4E20;
	[sflag:s18] =	ssyncadd.s32 $0xFFFFEC00  }
0x29: {  	[spmem:s3] =	stream.indirect.scatter.add.f32 [tilespmem:s16], [sflag:$0x3], $0x40, s24, s15, $0xb8;
	[tilespmem:$0x1FCC0] =	vst v63  }
0x2a: {  	_ =	swait.ge [sflag:s9], $0x1400  }
0x2b: {  	[sflag:s9] =	ssyncset.done $0x0  }
0x2c: {  	s30 =	simm.s32 $0xA0;
	[sflag:s9] =	ssyncadd.s32 $0xFFFFEC00  }
0x2d: {  	[tilespmem:s16], [sflag:$0x1] =	stream.indirect.gather [spmem:s2], $0x40, s30, s15, $0xb8;
	[tilespmem:$0x1FCC0] =	vst v63  }
0x2e: {  	_ =	swait.ge [sflag:s19], $0x1400  }
0x2f: {  	[sflag:s19] =	ssyncset.done $0x0  }
0x30: {  	s31 =	simm.s32 $0x4E70;
	[sflag:s19] =	ssyncadd.s32 $0xFFFFEC00  }
0x31: {  	[spmem:s3] =	stream.indirect.scatter.add.f32 [tilespmem:s17], [sflag:$0x3], $0x40, s31, s15, $0xb8;
	[tilespmem:$0x1FCC0] =	vst v63  }
0x32: {  	_ =	swait.ge [sflag:s9], $0x1400  }
0x33: {  	[sflag:s9] =	ssyncset.done $0x0  }
0x34: {  	s25 =	simm.s32 $0xF0;
	s24 =	simm.s32 $0x280;
	[sflag:s9] =	ssyncadd.s32 $0xFFFFEC00  }
.LBB2_2:
0x35: {  	[tilespmem:s17], [sflag:$0x2] =	stream.indirect.gather [spmem:s2], $0x40, s25, s15, $0xb8;
	[tilespmem:$0x1FCC0] =	vst v63  }
0x36: {  	s25 =	smov.u32 s24  }
0x37: {  	p0 =	sne.s32 s24, $0x13380;
	s24 =	sadd.s32 $0x280, s24;
	_ =	swait.ge [sflag:s18], $0x1400  }
0x38: {  	s25 =	sshra.s32 s25, $0x2;
	[sflag:s18] =	ssyncset.done $0x0  }
0x39: {  	s26 =	sadd.s32 $0x4E20, s25;
	[sflag:s18] =	ssyncadd.s32 $0xFFFFEC00  }
0x3a: {  	[spmem:s3] =	stream.indirect.scatter.add.f32 [tilespmem:s16], [sflag:$0x3], $0x40, s26, s15, $0xb8;
	[tilespmem:$0x1FCC0] =	vst v63  }
0x3b: {  	_ =	swait.ge [sflag:s9], $0x1400  }
0x3c: {  	[sflag:s9] =	ssyncset.done $0x0  }
0x3d: {  	s26 =	sadd.s32 $0xA0, s25;
	[sflag:s9] =	ssyncadd.s32 $0xFFFFEC00  }
0x3e: {  	[tilespmem:s16], [sflag:$0x1] =	stream.indirect.gather [spmem:s2], $0x40, s26, s15, $0xb8;
	[tilespmem:$0x1FCC0] =	vst v63  }
0x3f: {  	_ =	swait.ge [sflag:s19], $0x1400  }
0x40: {  	[sflag:s19] =	ssyncset.done $0x0  }
.Ltmp0:
0x41: {  	s26 =	sadd.s32 $0x4E70, s25;
	[sflag:s19] =	ssyncadd.s32 $0xFFFFEC00;
	(pc) =	sbr.rel @p0 .LBB2_2-.Ltmp0, $4  }
0x42: {  	[spmem:s3] =	stream.indirect.scatter.add.f32 [tilespmem:s17], [sflag:$0x3], $0x40, s26, s15, $0xb8;
	[tilespmem:$0x1FCC0] =	vst v63  }
0x43: {  	_ =	swait.ge [sflag:s9], $0x1400  }
0x44: {  	[sflag:s9] =	ssyncset.done $0x0  }
0x45: {  	s25 =	sadd.s32 $0xF0, s25;
	[sflag:s9] =	ssyncadd.s32 $0xFFFFEC00  }
0x46: {  	[tilespmem:s17], [sflag:$0x2] =	stream.indirect.gather [spmem:s2], $0x40, s25, s15, $0xb8;
	[tilespmem:$0x1FCC0] =	vst v63  }
0x47: {  	_ =	swait.ge [sflag:s18], $0x1400  }
0x48: {  	[sflag:s18] =	ssyncset.done $0x0  }
0x49: {  	[sflag:s18] =	ssyncadd.s32 $0xFFFFEC00  }
0x4a: {  	[spmem:s3] =	stream.indirect.scatter.add.f32 [tilespmem:s16], [sflag:$0x3], $0x40, s20, s15, $0xb8;
	[tilespmem:$0x1FCC0] =	vst v63  }
0x4b: {  	_ =	swait.ge [sflag:s9], $0x1400  }
0x4c: {  	[sflag:s9] =	ssyncset.done $0x0  }
0x4d: {  	[sflag:s9] =	ssyncadd.s32 $0xFFFFEC00  }
0x4e: {  	_ =	swait.ge [sflag:s19], $0x1400  }
0x4f: {  	[sflag:s19] =	ssyncset.done $0x0  }
0x50: {  	[sflag:s19] =	ssyncadd.s32 $0xFFFFEC00  }
0x51: {  	[spmem:s3] =	stream.indirect.scatter.add.f32 [tilespmem:s17], [sflag:$0x3], $0x40, s21, s15, $0xb8;
	[tilespmem:$0x1FCC0] =	vst v63  }
0x52: {  	_ =	swait.ge [sflag:s9], $0x1400  }
0x53: {  	s23 =	sadd.s32 $0x1, s23;
	[sflag:s9] =	ssyncset.done $0x0  }
0x54: {  	p0 =	sne.s32 s23, s8;
	[sflag:s9] =	ssyncadd.s32 $0xFFFFEC00  }
.Ltmp1:
0x55: {  	[bflag:$0x0] =	sbarrier.arrive $0xFFFF;
	(pc) =	sbr.rel @p0 .LBB2_1-.Ltmp1, $4  }
0x56: {  	[hbm:s22], [sflag:s12] =	dma.local [spmem:s14], $0x1388  }
0x57: {  	_ =	swait.ge [sflag:s9], $0x1388  }
0x58: {  	[sflag:s9] =	ssyncset.done $0x0  }
0x59: {  	[sflag:s9] =	ssyncadd.s32 $0xFFFFEC78  }
0x5a: {  	_ =	sfence.sel $0x180000  }
0x5b: {  	[bflag:$0x0] =	sbarrier.arrive $0xFFFF  }
0x5c: {  	p0 =	sne.s32 s1, $0x0;
	_ =	strace $0x9000004D  }
0x5d: {  	s0 =	sadd.s32 @!p0 $0x100000, s0;
	[bflag:$0x2] =	sbarrier.arrive $0xFFFF  }
0x5e: {  	[sflag:s0] =	ssyncadd.tile.s32 @!p0 $0x1;
	_ =	shalt  }
.Lfunc_end2:
_tile_overlayer_lowered:
.L_overlay_start_2:
0x5f: {  	(tag) =	ssettag $0x2  }
0x60: {  	s0 =	rddreg [dreg:$0x0];
	s2 =	stileid.u32  }
0x61: {  	s1 =	rddreg [dreg:$0x1];
	p0 =	sne.s32 s2, $0x0  }
0x62: {  	s3 =	rddreg [dreg:$0x2];
	[bflag:$0x3] =	sbarrier.arrive $0xFFFF;
	s2 =	simm.s32 @!p0 $0x1C03  }
0x63: {  	[timem:s3], [sflag:s2] =	dma.local @!p0 [hbm:s0], s1  }
0x64: {  	s0 =	simm.s32 @!p0 $0x3  }
0x65: {  	_ =	swait.ge @!p0 [sflag:s0], s1  }
0x66: {  	s1 =	ssub.s32 @!p0 $0x0, s1;
	[sflag:s0] =	ssyncset.done @!p0 $0x0  }
0x67: {  	[sflag:s0] =	ssyncadd.s32 @!p0 s1  }
0x68: {  	[bflag:$0x3] =	sbarrier.arrive $0xFFFF  }
0x69: {  	_ =	shalt  }

// kernel: kernel.19.cloned.1.call-start
scs
__scs_entry_jumppad:
0x0: {  	(pc) =	sbr.rel $0x88, $3  }
0x1: {  	(tag) =	ssettag $0x0;
	lr =	simm.s32 $0x1  }
0x2: {  	[smem:$0x3F99] =	sst lr;
	_ =	strace $0xD0000000  }
0x3: {  	_ = 	snop  }
0x4: {  	_ = 	snop  }
0x5: {  	_ = 	snop  }
0x6: {  	_ = 	snop  }
0x7: {  	_ = 	snop  }
__scs_overlays_trampoline_lowered:
0x8: {  	[smem:$0x3FA8] =	sst s0  }
0x9: {  	[smem:$0x3FA9] =	sst s1  }
0xa: {  	[smem:$0x3FAA] =	sst s2  }
0xb: {  	[smem:$0x3FAB] =	sst s3  }
0xc: {  	[smem:$0x3FAC] =	sst s4  }
0xd: {  	[smem:$0x3FAD] =	sst s5  }
0xe: {  	[smem:$0x3FAE] =	sst s6  }
0xf: {  	[smem:$0x3FAF] =	sst s7  }
0x10: {  	[smem:$0x3FB0] =	sst s8  }
0x11: {  	[smem:$0x3FB1] =	sst s9;
	s0 =	simm.s32 @!p0 $0x0  }
0x12: {  	s1 =	sld [smem:$0x3F97];
	s0 =	simm.s32 @p0 $0x1  }
0x13: {  	[smem:$0x3FB2] =	sst s0;
	s0 =	simm.s32 @!p1 $0x0  }
0x14: {  	s2 =	sld [smem:$0x3F96];
	s0 =	simm.s32 @p1 $0x1  }
0x15: {  	[smem:$0x3FB3] =	sst s0;
	s0 =	simm.s32 @!p2 $0x0  }
0x16: {  	s3 =	sld [smem:$0x3FDB];
	s0 =	simm.s32 @p2 $0x1  }
0x17: {  	s4 =	simm.s32 $0x1BF5;
	[smem:$0x3FB5] =	sst s0  }
0x18: {  	s0 =	sld [smem:$0x3F98];
	_ =	swait.ge [sflag:s4], $0x0  }
0x19: {  	s7 =	sld [smem:$0x3F99]  }
0x1a: {  	s8 =	sadd.s32 $0xFFFFE003, lr  }
0x1b: {  	s9 =	sadd.s32 $0xFFFFFEF7, lr;
	s5 =	simm.s32 $0xFFFFFFFF;
	p2 =	slt.u32 s8, $0xFFFFF086  }
0x1c: {  	p1 =	slt.u32 s9, $0xF7A;
	s5 =	simm.s32 @!p2 $0x0  }
0x1d: {  	s5 =	simm.s32 @p1 $0x1;
	p0 =	seq.s32 s7, s2  }
0x1e: {  	s7 =	smul.u32 @!p0 $0xF7A, s2;
	p2 =	seq.s32 @!p0 s5, $0x0  }
0x1f: {  	s9 =	smul.u32 $0xF7A, s1;
	s8 =	simm.s32 @!p0 $0x1BF5;
	p2 =	por !p2, p0  }
0x20: {  	[sflag:s8] =	ssyncset.s32 @!p0 $0xFFFFF086;
	s6 =	sadd.s32 @!p0 s3, s7;
	s7 =	simm.s32 @!p0 $0x108  }
0x21: {  	s3 =	sadd.s32 s3, s9;
	s6 =	sadd.s32 @!p0 $0x88, s6;
	s7 =	simm.s32 @p2 $0x1082  }
0x22: {  	[simem:s7], [sflag:s8] =	dma.local @!p0 [hbm:s6], $0xF7A  }
0x23: {  	s9 =	sor.u32 $0xD0000000, s2;
	s6 =	simm.s32 $0x108;
	_ =	swait.ge @!p0 [sflag:s8], $0x0  }
0x24: {  	s3 =	sadd.s32 $0x88, s3;
	s6 =	simm.s32 @!p1 $0x1082;
	[sflag:s4] =	ssyncset.s32 $0xFFFFF086  }
0x25: {  	[simem:s6], [sflag:s4] =	dma.local [hbm:s3], $0xF7A  }
0x26: {  	[smem:$0x3F99] =	sst s1;
	(tag) =	ssettag s2;
	_ =	strace s9  }
0x27: {  	s1 =	sld [smem:$0x3FA9]  }
0x28: {  	s2 =	sld [smem:$0x3FAA]  }
0x29: {  	s4 =	sld [smem:$0x3FAC]  }
0x2a: {  	p0 =	seq.s32 s5, $0x0;
	s5 =	sld [smem:$0x3FAD]  }
0x2b: {  	s6 =	sld [smem:$0x3FAE]  }
0x2c: {  	s7 =	sld [smem:$0x3FAF]  }
0x2d: {  	s3 =	simm.s32 $0x108;
	s8 =	sld [smem:$0x3FB0]  }
0x2e: {  	s3 =	simm.s32 @!p0 $0x1082;
	s9 =	sld [smem:$0x3FB1]  }
0x2f: {  	lr =	sadd.s32 s0, s3;
	s0 =	sld [smem:$0x3FA8]  }
0x30: {  	s3 =	sld [smem:$0x3FAB]  }
0x31: {  	[smem:$0x3FB4] =	sst s10  }
0x32: {  	s10 =	sld [smem:$0x3FB2];
	_ =	sdelay $0x3  }
0x33: {  	p0 =	seq.s32 s10, $0x1;
	s10 =	sld [smem:$0x3FB4];
	_ =	sdelay $0x3  }
0x34: {  	[smem:$0x3FB4] =	sst s10  }
0x35: {  	s10 =	sld [smem:$0x3FB3];
	_ =	sdelay $0x3  }
0x36: {  	p1 =	seq.s32 s10, $0x1;
	s10 =	sld [smem:$0x3FB4];
	_ =	sdelay $0x3  }
0x37: {  	[smem:$0x3FB4] =	sst s10  }
0x38: {  	s10 =	sld [smem:$0x3FB5]  }
0x39: {  	_ = 	snop;
	(pc) =	sbr.ind lr, $3  }
0x3a: {  	_ = 	snop  }
0x3b: {  	_ = 	snop  }
0x3c: {  	p2 =	seq.s32 s10, $0x1;
	s10 =	sld [smem:$0x3FB4]  }
0x3d: {  	_ =	shalt  }
0x3e: {  	_ =	shalt  }
0x3f: {  	_ =	shalt  }
0x40: {  	_ =	shalt  }
0x41: {  	_ =	shalt  }
0x42: {  	_ =	shalt  }
0x43: {  	_ =	shalt  }
0x44: {  	_ =	shalt  }
0x45: {  	_ =	shalt  }
0x46: {  	_ =	shalt  }
0x47: {  	_ =	shalt  }
0x48: {  	_ =	shalt  }
0x49: {  	_ =	shalt  }
0x4a: {  	_ =	shalt  }
0x4b: {  	_ =	shalt  }
0x4c: {  	_ =	shalt  }
0x4d: {  	_ =	shalt  }
0x4e: {  	_ =	shalt  }
0x4f: {  	_ =	shalt  }
0x50: {  	_ =	shalt  }
0x51: {  	_ =	shalt  }
0x52: {  	_ =	shalt  }
0x53: {  	_ =	shalt  }
0x54: {  	_ =	shalt  }
0x55: {  	_ =	shalt  }
0x56: {  	_ =	shalt  }
0x57: {  	_ =	shalt  }
0x58: {  	_ =	shalt  }
0x59: {  	_ =	shalt  }
0x5a: {  	_ =	shalt  }
0x5b: {  	_ =	shalt  }
0x5c: {  	_ =	shalt  }
0x5d: {  	_ =	shalt  }
0x5e: {  	_ =	shalt  }
0x5f: {  	_ =	shalt  }
0x60: {  	_ =	shalt  }
0x61: {  	_ =	shalt  }
0x62: {  	_ =	shalt  }
0x63: {  	_ =	shalt  }
0x64: {  	_ =	shalt  }
0x65: {  	_ =	shalt  }
0x66: {  	_ =	shalt  }
0x67: {  	_ =	shalt  }
0x68: {  	_ =	shalt  }
0x69: {  	_ =	shalt  }
0x6a: {  	_ =	shalt  }
0x6b: {  	_ =	shalt  }
0x6c: {  	_ =	shalt  }
0x6d: {  	_ =	shalt  }
0x6e: {  	_ =	shalt  }
0x6f: {  	_ =	shalt  }
0x70: {  	_ =	shalt  }
0x71: {  	_ =	shalt  }
0x72: {  	_ =	shalt  }
0x73: {  	_ =	shalt  }
0x74: {  	_ =	shalt  }
0x75: {  	_ =	shalt  }
0x76: {  	_ =	shalt  }
0x77: {  	_ =	shalt  }
0x78: {  	_ =	shalt  }
0x79: {  	_ =	shalt  }
0x7a: {  	_ =	shalt  }
0x7b: {  	_ =	shalt  }
0x7c: {  	_ =	shalt  }
0x7d: {  	_ =	shalt  }
0x7e: {  	_ =	shalt  }
0x7f: {  	_ =	shalt  }
0x80: {  	_ =	shalt  }
0x81: {  	_ =	shalt  }
0x82: {  	_ =	shalt  }
0x83: {  	_ =	shalt  }
0x84: {  	_ =	shalt  }
0x85: {  	_ =	shalt  }
0x86: {  	_ =	shalt  }
0x87: {  	_ =	shalt  }
.Lfunc_end0:
.L_simem_size_0:
called_computation.3_lowered:
.L_overlay_start_0:
0x88: {  	s2 =	sld [smem:$0x3FD9]  }
0x89: {  	s3 =	sld [smem:$0x3FFE];
	_ =	sdelay $0x1  }
0x8a: {  	s1 =	srdreg.scid  }
0x8b: {  	s0 =	sand.u32 $0x1, s1  }
0x8c: {  	s17 =	sshll.u32 s0, $0xA;
	s2 =	sadd.s32 s3, s2  }
0x8d: {  	s2 =	sadd.s32 s2, s17  }
0x8e: {  	[smem:$0x3FC0] =	sst s2  }
0x8f: {  	_ = 	snop  }
0x90: {  	s2 =	sld [smem:$0x3FD0];
	(tm) =	ssettm $0x1  }
0x91: {  	s18 =	sld [smem:$0x3FFB];
	_ =	sdelay $0x3  }
0x92: {  	_ =	strace s18  }
0x93: {  	s3 =	sld [smem:$0x3FFC];
	_ =	sdelay $0x3  }
0x94: {  	_ =	strace s3  }
0x95: {  	s3 =	sld [smem:$0x3FFD];
	_ =	sdelay $0x3  }
0x96: {  	_ =	strace s3  }
0x97: {  	_ =	strace $0x8FFFFFFF  }
0x98: {  	s19 =	sld [smem:$0x3FDB];
	_ =	sdelay $0x1  }
0x99: {  	s4 =	simm.s32 $_scs_section_size  }
0x9a: {  	s5 =	simm.s32 $_size__tile_overlayer_lowered;
	s6 =	simm.s32 $_tile_overlayer_lowered  }
0x9b: {  	s22 =	simm.s32 $0x1BFF;
	s21 =	sshll.u32 s6, $0x1;
	s3 =	sadd.s32 s4, s19  }
0x9c: {  	s7 =	simm.s32 $0x0;
	s20 =	sshll.u32 s5, $0x1;
	s5 =	sadd.s32 s21, s3  }
0x9d: {  	[timem:s7], [sflag:s22] =	dma.local [hbm:s5], s20  }
0x9e: {  	_ =	swait.ge [sflag:s22], s20  }
0x9f: {  	s4 =	ssub.s32 $0x0, s20;
	[sflag:s22] =	ssyncset.done $0x0  }
0xa0: {  	[sflag:s22] =	ssyncadd.s32 s4;
	_ =	sdelay $0x1  }
0xa1: {  	s23 =	simm.s32 $0x1B8B  }
0xa2: {  	_ =	swait.ge [sflag:s23], $0x1  }
0xa3: {  	[sflag:s23] =	ssyncset.done $0x0  }
0xa4: {  	s25 =	simm.s32 $0x1B8E;
	s24 =	sld [smem:$0x3FFE];
	[sflag:s23] =	ssyncadd.s32 $0xFFFFFFFF  }
0xa5: {  	s26 =	simm.s32 $execute0_lowered;
	[smem:$0x3FD2] =	sst s25  }
0xa6: {  	s5 =	sshll.u32 s26, $0x1;
	_ =	strace $0x8000004F;
	[dreg:$0x1] =	wrdreg $0xFFFFFFFF  }
0xa7: {  	s28 =	simm.s32 $_size_execute0_lowered;
	s3 =	sadd.s32 s3, s5;
	[dreg:$0x0] =	wrdreg $0x0  }
0xa8: {  	s5 =	sshll.u32 s28, $0x1;
	[dreg:$0x2] =	wrdreg s3  }
0xa9: {  	[dreg:$0x3] =	wrdreg s5  }
0xaa: {  	[dreg:$0x4] =	wrdreg $0xC0  }
0xab: {  	_ =	task [dreg:s7], $0x5FFFF  }
0xac: {  	[dreg:$0x1] =	wrdreg $0xFFFFFFFF  }
0xad: {  	[dreg:$0x0] =	wrdreg $0x60  }
0xae: {  	[dreg:$0x2] =	wrdreg s24  }
0xaf: {  	[dreg:$0x3] =	wrdreg s2  }
0xb0: {  	[dreg:$0x4] =	wrdreg $0x9  }
0xb1: {  	_ =	task.clear_ibuf [dreg:s7], $0x5FFFF;
	_ =	strace $0x9000004F  }
0xb2: {  	s29 =	simm.s32 $0x9;
	_ =	strace $0x80000051  }
0xb3: {  	_ =	swait.ge [sflag:s29], $0x1  }
0xb4: {  	[sflag:s29] =	ssyncadd.s32 $0xFFFFFFFF  }
0xb5: {  	_ =	strace $0x90000051  }
0xb6: {  	_ =	sfence  }
0xb7: {  	s30 =	sld [smem:$0x0];
	_ =	sdelay $0x2  }
0xb8: {  	s31 =	sshll.u32 s1, $0xD;
	s1 =	sshrl.u32 s1, $0x2  }
0xb9: {  	s3 =	sand.u32 $0x4000, s31;
	s1 =	sadd.s32 s1, s30  }
0xba: {  	s0 =	sor.u32 s3, s0;
	s1 =	sshll.u32 s1, $0x11  }
0xbb: {  	s0 =	sor.u32 s1, s0  }
0xbc: {  	s0 =	sadd.s32 $0x8F2B, s0  }
0xbd: {  	[sflag:s0] =	ssyncadd.remote.s32 $0x1  }
0xbe: {  	_ =	sfence.sel $0xFFFF  }
0xbf: {  	[dreg:$0x0] =	wrdreg $0xFFFFFFFF;
	(pc) =	sbr.abs _section_cstart, $3  }
0xc0: {  	[dreg:$0x1] =	wrdreg $0xFFFFFFFF  }
0xc1: {  	_ =	task.clear_ibuf [dreg:s7], $0x2FFFF;
	_ =	strace $0x9FFFFFFF  }
0xc2: {  	(tm) =	ssettm $0x7FFFFFFF  }
0xc3: {  	_ =	shalt  }
tec
execute0_lowered:
.L_overlay_start_1:
0x0: {  	(tag) =	ssettag $0x1  }
0x1: {  	s0 =	srdreg.scid;
	s5 =	rddreg [dreg:$0x0]  }
0x2: {  	s2 =	rddreg [dreg:$0x1];
	s1 =	stileid.u32;
	s4 =	sand.u32 $0x1, s0  }
0x3: {  	s3 =	simm.s32 $0x0;
	s10 =	simm.s32 $0x2710;
	s6 =	sshll.u32 s4, $0x4  }
0x4: {  	s11 =	simm.s32 $0x4E20;
	s12 =	simm.s32 $0x7530;
	s6 =	sor.u32 s1, s6  }
0x5: {  	s0 =	rddreg [dreg:$0x2];
	s7 =	ssub.s32 $0x2, s4;
	s6 =	smul.u32 $0x4E2, s6  }
0x6: {  	s13 =	simm.s32 $0x0;
	[smem:$0x7FF] =	sst s3;
	s8 =	sshrl.u32 s7, $0x1  }
0x7: {  	_ =	strace $0x80000050;
	s8 =	ssub.s32 s7, s8;
	s9 =	sadd.s32 s6, s5  }
0x8: {  	s4 =	sadd.s32 $0x16000, s5;
	s8 =	smax.u32 s8, $0x1;
	s5 =	sadd.s32 $0x2400, s9  }
0x9: {  	s6 =	sadd.s32 $0xC200, s9;
	s7 =	sadd.s32 $0x16600, s9;
	s9 =	simm.s32 $0x1  }
.LBB2_1:
0xa: {  	[tilespmem:s3], [sflag:$0x1] =	stream.linear.gather [hbm4b:s5+s3], $0x2710, $0x38;
	[tilespmem:$0x9C40] =	vst v63  }
0xb: {  	_ =	swait.ge [sflag:s9], $0x2710  }
0xc: {  	[sflag:s9] =	ssyncset.done $0x0  }
0xd: {  	[sflag:s9] =	ssyncadd.s32 $0xFFFFD8F0  }
0xe: {  	[tilespmem:s10], [sflag:$0x1] =	stream.linear.gather [hbm4b:s6+s3], $0x2710, $0x38;
	[tilespmem:$0x9C40] =	vst v63  }
0xf: {  	_ =	swait.ge [sflag:s9], $0x2710  }
0x10: {  	[sflag:s9] =	ssyncset.done $0x0  }
0x11: {  	[sflag:s9] =	ssyncadd.s32 $0xFFFFD8F0  }
0x12: {  	[tilespmem:s11], [sflag:$0x1] =	stream.linear.gather [hbm4b:s4+s3], $0x2710, $0x38;
	[tilespmem:$0x9C40] =	vst v63  }
0x13: {  	_ =	swait.ge [sflag:s9], $0x2710  }
0x14: {  	[sflag:s9] =	ssyncset.done $0x0  }
0x15: {  	[sflag:s9] =	ssyncadd.s32 $0xFFFFD8F0  }
0x16: {  	[tilespmem:s12], [sflag:$0x1] =	stream.linear.gather [hbm4b:s2+s3], $0x2710, $0x38;
	[tilespmem:$0x9C40] =	vst v63  }
0x17: {  	_ =	swait.ge [sflag:s9], $0x2710  }
0x18: {  	[sflag:s9] =	ssyncset.done $0x0  }
0x19: {  	s15 =	simm.s32 $0x0;
	s14 =	simm.s32 $0x40;
	[sflag:s9] =	ssyncadd.s32 $0xFFFFD8F0  }
.LBB2_2:
0x1a: {  	p0 =	sne.s32 s14, $0x9C00;
	v0 =	vld [tilespmem:s15+$0x0];
	_ =	sdelay $0x5  }
0x1b: {  	v1 =	vld [tilespmem:s15+$0x2710];
	_ =	sdelay $0x1  }
0x1c: {  	v0 =	vld.idx.msk [tilespmem:v0+s11+$0x0], $0xffff;
	_ =	sdelay $0x1  }
.Ltmp0:
0x1d: {  	(pc) =	sbr.rel @p0 .LBB2_2-.Ltmp0, $2  }
0x1e: {  	_ =	sdelay $0x2  }
0x1f: {  	s15 =	sshra.s32 s14, $0x2;
	s14 =	sadd.s32 $0x40, s14;
	[tilespmem:v1+s12+$0x0] =	vst.idx.add.f32.msk $0xffff, v0  }
0x20: {  	v0 =	vld [tilespmem:s15+$0x0];
	_ =	sdelay $0x4  }
0x21: {  	v1 =	vld [tilespmem:s15+$0x2710];
	_ =	sdelay $0x2  }
0x22: {  	v0 =	vld.idx.msk [tilespmem:v0+s11+$0x0], $0xffff;
	_ =	sdelay $0x2  }
0x23: {  	s13 =	sadd.s32 $0x1, s13  }
0x24: {  	p0 =	sne.s32 s13, s8  }
.Ltmp1:
0x25: {  	[tilespmem:v1+s12+$0x0] =	vst.idx.add.f32.msk $0xffff, v0;
	(pc) =	sbr.rel @p0 .LBB2_1-.Ltmp1, $4  }
0x26: {  	[hbm4b:s7+s3] =	stream.linear.scatter [tilespmem:s12], [sflag:$0x1], $0x2710, $0x38;
	[tilespmem:$0x9C40] =	vst v63  }
0x27: {  	_ =	swait.ge [sflag:s9], $0x2710  }
0x28: {  	[sflag:s9] =	ssyncset.done $0x0  }
0x29: {  	[sflag:s9] =	ssyncadd.s32 $0xFFFFD8F0  }
0x2a: {  	_ =	sfence.sel $0x180000  }
0x2b: {  	[bflag:$0x0] =	sbarrier.arrive $0xFFFF  }
0x2c: {  	p0 =	sne.s32 s1, $0x0;
	_ =	strace $0x90000050  }
0x2d: {  	s0 =	sadd.s32 @!p0 $0x100000, s0;
	[bflag:$0x2] =	sbarrier.arrive $0xFFFF  }
0x2e: {  	[sflag:s0] =	ssyncadd.tile.s32 @!p0 $0x1;
	_ =	shalt  }
.Lfunc_end2:
_tile_overlayer_lowered:
.L_overlay_start_2:
0x2f: {  	(tag) =	ssettag $0x2  }
0x30: {  	s0 =	rddreg [dreg:$0x0];
	s2 =	stileid.u32  }
0x31: {  	s1 =	rddreg [dreg:$0x1];
	p0 =	sne.s32 s2, $0x0  }
0x32: {  	s3 =	rddreg [dreg:$0x2];
	[bflag:$0x3] =	sbarrier.arrive $0xFFFF;
	s2 =	simm.s32 @!p0 $0x1C01  }
0x33: {  	[timem:s3], [sflag:s2] =	dma.local @!p0 [hbm:s0], s1  }
0x34: {  	s0 =	simm.s32 @!p0 $0x1  }
0x35: {  	_ =	swait.ge @!p0 [sflag:s0], s1  }
0x36: {  	s1 =	ssub.s32 @!p0 $0x0, s1;
	[sflag:s0] =	ssyncset.done @!p0 $0x0  }
0x37: {  	[sflag:s0] =	ssyncadd.s32 @!p0 s1  }
0x38: {  	[bflag:$0x3] =	sbarrier.arrive $0xFFFF  }
0x39: {  	_ =	shalt  }

</sc_bundles>
